<compile_context>
chip_gen: v7x
topology: tpu7x:2x2x1
jax: 0.10.2.dev20260603
libtpu: 0.0.44.dev20260713+nightly
codegen_flags: <defaults>
</compile_context>

<pallas_src>
import jax
import jax.numpy as jnp
from jax import lax
from jax.experimental import pallas as pl
from jax.experimental.pallas import tpu as pltpu
from jax.experimental.pallas import tpu_sc as plsc

NUM_CORES = 2
NUM_SUBCORES = 16
NUM_WORKERS = NUM_CORES * NUM_SUBCORES
LANES = 16

EMB_DIM = 32
FEAT = 4
OUT_DIM = EMB_DIM + FEAT - 1

B_FULL = 1024
B_BLOCK = 128
N_BBLOCKS = B_FULL // B_BLOCK
SEQ = 50
WORDS = 20
N_CHUNKS = SEQ * N_BBLOCKS
CHUNKS_PER_WORKER = -(-N_CHUNKS // NUM_WORKERS)

GROUPS = B_BLOCK // LANES


def _sc_body(feat_hbm, table_hbm, out_hbm, featp_v, idx_v, grows_v, out_v, sem):
    wid = lax.axis_index("s") * NUM_CORES + lax.axis_index("c")

    def chunk_body(k, carry):
        c = wid + k * NUM_WORKERS

        @pl.when(c < N_CHUNKS)
        def _():
            s = c // N_BBLOCKS
            b0 = (c % N_BBLOCKS) * B_BLOCK

            def jp_body(jp, carry2):
                pltpu.sync_copy(
                    feat_hbm.at[s, pl.ds(jp * 8, 8), pl.ds(b0, B_BLOCK)],
                    featp_v,
                )
                for jj in range(2):
                    j = jp * 2 + jj
                    for m in range(GROUPS):
                        ids = featp_v[4 * jj, pl.ds(m * LANES, LANES)].astype(jnp.int32)
                        idx_v[0, pl.ds(m * LANES, LANES)] = lax.shift_right_logical(ids, 2)
                    pltpu.async_copy(
                        table_hbm.at[idx_v.at[0]], grows_v, sem
                    ).wait()
                    def asm(m, carry3):
                        chars = lax.iota(jnp.int32, LANES) + m * LANES
                        ids = featp_v[4 * jj, pl.ds(m * LANES, LANES)].astype(jnp.int32)
                        subs = lax.shift_left(lax.bitwise_and(ids, 3), 5)
                        for d in range(EMB_DIM):
                            vals = plsc.load_gather(grows_v, [chars, subs + d])
                            out_v[j * OUT_DIM + d, pl.ds(m * LANES, LANES)] = vals
                        for t in range(1, FEAT):
                            out_v[j * OUT_DIM + EMB_DIM + t - 1, pl.ds(m * LANES, LANES)] = (
                                featp_v[4 * jj + t, pl.ds(m * LANES, LANES)]
                            )
                        return carry3

                    lax.fori_loop(0, GROUPS, asm, 0)
                return carry2

            lax.fori_loop(0, WORDS // 2, jp_body, 0)
            pltpu.sync_copy(out_v, out_hbm.at[s, :, pl.ds(b0, B_BLOCK)])

        return carry

    lax.fori_loop(0, CHUNKS_PER_WORKER, chunk_body, 0)


def kernel(batch_features, embedding):
    batch_size, max_seq_length, flat_features = batch_features.shape
    max_word_length = flat_features // FEAT

    feat3 = jnp.transpose(batch_features, (1, 2, 0))
    table = embedding.reshape(embedding.shape[0] * EMB_DIM // 128, 128)

    call = pl.kernel(
        _sc_body,
        out_type=jax.ShapeDtypeStruct(
            (max_seq_length, max_word_length * OUT_DIM, batch_size), jnp.float32
        ),
        mesh=plsc.VectorSubcoreMesh(core_axis_name="c", subcore_axis_name="s"),
        scratch_types=[
            pltpu.VMEM((8, B_BLOCK), jnp.float32),
            pltpu.VMEM((1, B_BLOCK), jnp.int32),
            pltpu.VMEM((B_BLOCK, 128), jnp.float32),
            pltpu.VMEM((max_word_length * OUT_DIM, B_BLOCK), jnp.float32),
            pltpu.SemaphoreType.DMA,
        ],
        compiler_params=pltpu.CompilerParams(
            needs_layout_passes=False,
        ),
    )
    out3 = call(feat3, table)
    return jnp.transpose(out3, (2, 0, 1))

# --- scband reference (transcript-rebuilt; emitter-appended) ---
"""Pipeline reference for scband-encoder-74320114090571 (READ-ONLY COPY).

The authoritative reference and input builder live on the scoring server;
editing this copy changes nothing except your own understanding.
"""

import jax, jax.numpy as jnp
import numpy as np

NUM_EMBEDDINGS = 1000000
EMBEDDING_DIM = 32
NUM_FEATURES = 4


def setup_inputs(seed: int = 0) -> dict:
    key = jax.random.key(seed)
    k1, k2 = jax.random.split(key)
    # batch_features: first channel per char holds the integer char id (as float),
    # remaining channels are additional features. Filled per spec: randint cast to float32.
    batch_features = jax.random.randint(k1, (1024, 50, 80), 0, NUM_EMBEDDINGS).astype(jnp.float32)
    # learned embedding table per init_kwargs
    embedding = jax.random.normal(k2, (NUM_EMBEDDINGS, EMBEDDING_DIM), dtype=jnp.float32)
    return {"batch_features": batch_features, "embedding": embedding}


def reference(batch_features, embedding):
    batch_size, max_seq_length, flattened_features_size = batch_features.shape
    max_word_length = flattened_features_size // NUM_FEATURES
    unflattened = batch_features.reshape(batch_size, max_seq_length, max_word_length, NUM_FEATURES)
    encoded_chars = unflattened[:, :, :, 0].astype(jnp.int32)
    additional_features = unflattened[:, :, :, 1:]
    # embedding lookup (gather); dropout is identity in eval mode
    embedded_chars = jnp.take(embedding, encoded_chars, axis=0)
    combined = jnp.concatenate((embedded_chars, additional_features), axis=-1)
    flattened_output = combined.reshape(batch_size, max_seq_length, -1)
    return flattened_output

if __name__ == "__main__":
    import jax
    _d = setup_inputs()
    print(jax.jit(kernel)(*tuple(_d.values())))

</pallas_src>

<mosaic_0001>
#map = affine_map<(d0, d1) -> (0, 0, 0)>
#map1 = affine_map<(d0, d1) -> (0, 0)>
module attributes {stable_mosaic.version = 14 : i64} {
  func.func @_sc_body(%arg0: i32, %arg1: i32, %arg2: memref<50x80x1024xf32, #tpu.memory_space<hbm>>, %arg3: memref<250000x128xf32, #tpu.memory_space<hbm>>, %arg4: memref<50x700x1024xf32, #tpu.memory_space<hbm>>, %arg5: memref<8x128xf32, #tpu.memory_space<vmem>>, %arg6: memref<1x128xi32, #tpu.memory_space<vmem>>, %arg7: memref<128x128xf32, #tpu.memory_space<vmem>>, %arg8: memref<700x128xf32, #tpu.memory_space<vmem>>, %arg9: memref<!tpu.dma_semaphore, #tpu.memory_space<semaphore_mem>>) attributes {dimension_semantics = [#tpu.dimension_semantics<core_parallel>, #tpu.dimension_semantics<subcore_parallel>], iteration_bounds = array<i64: 2, 16>, scalar_prefetch = 0 : i64, scratch_operands = 5 : i64, tpu.core_type = #tpu.core_type<sc_vector_subcore>, window_params = [{transform_indices = #map}, {transform_indices = #map1}, {transform_indices = #map}]} {
    %mul3A = arith.constant 2 : i32
    %mul3A_0 = arith.muli %arg1, %mul3A : i32
    %add3A = arith.addi %mul3A_0, %arg0 : i32
    %scan3A = arith.constant 0 : i32
    %scan3A_1 = arith.constant 0 : i32
    %scan3A_2 = arith.constant 13 : i32
    %scan3A_3 = arith.addi %scan3A_1, %scan3A_2 : i32
    %scan3A_4 = arith.constant 1 : i32
    scf.for %scan3A_6 = %scan3A_1 to %scan3A_3 step %scan3A_4  : i32 {
      %mul3A_7 = arith.constant 32 : i32
      %mul3A_8 = arith.muli %scan3A_6, %mul3A_7 : i32
      %add3A_9 = arith.addi %add3A, %mul3A_8 : i32
      %lt3A = arith.constant 400 : i32
      %lt3A_10 = arith.cmpi slt, %add3A_9, %lt3A : i32
      %convert_element_type3A = arith.extui %lt3A_10 : i1 to i32
      %cond3A = arith.constant 0 : i32
      %cond3A_11 = arith.cmpi ne, %convert_element_type3A, %cond3A : i32
      scf.if %cond3A_11 {
        %jit3A = arith.constant 8 : i32
        %div3A = arith.divsi %add3A_9, %jit3A : i32
        %sign3A = arith.constant 0 : i32
        %sign3A_12 = arith.cmpi sgt, %add3A_9, %sign3A : i32
        %sign3A_13 = arith.extui %sign3A_12 : i1 to i32
        %sign3A_14 = arith.constant 0 : i32
        %sign3A_15 = arith.cmpi slt, %add3A_9, %sign3A_14 : i32
        %sign3A_16 = arith.extui %sign3A_15 : i1 to i32
        %sign3A_17 = arith.subi %sign3A_13, %sign3A_16 : i32
        %sign3A_18 = arith.constant 0 : i32
        %sign3A_19 = arith.cmpi sgt, %jit3A, %sign3A_18 : i32
        %sign3A_20 = arith.extui %sign3A_19 : i1 to i32
        %sign3A_21 = arith.constant 0 : i32
        %sign3A_22 = arith.cmpi slt, %jit3A, %sign3A_21 : i32
        %sign3A_23 = arith.extui %sign3A_22 : i1 to i32
        %sign3A_24 = arith.subi %sign3A_20, %sign3A_23 : i32
        %ne3A = arith.cmpi ne, %sign3A_17, %sign3A_24 : i32
        %rem3A = arith.remsi %add3A_9, %jit3A : i32
        %ne3A_25 = arith.constant 0 : i32
        %ne3A_26 = arith.cmpi ne, %rem3A, %ne3A_25 : i32
        %and3A = arith.andi %ne3A, %ne3A_26 : i1
        %sub3A = arith.constant 1 : i32
        %sub3A_27 = arith.subi %div3A, %sub3A : i32
        %select_n3A = arith.select %and3A, %sub3A_27, %div3A : i32
        %jit3A_28 = arith.constant 8 : i32
        %eq3A = arith.constant 0 : i32
        %eq3A_29 = arith.cmpi eq, %jit3A_28, %eq3A : i32
        %jit3A_30 = arith.constant 1 : i32
        %select_n3A_31 = arith.select %eq3A_29, %jit3A_30, %jit3A_28 : i32
        %rem3A_32 = arith.remsi %add3A_9, %select_n3A_31 : i32
        %ne3A_33 = arith.constant 0 : i32
        %ne3A_34 = arith.cmpi ne, %rem3A_32, %ne3A_33 : i32
        %lt3A_35 = arith.constant 0 : i32
        %lt3A_36 = arith.cmpi slt, %rem3A_32, %lt3A_35 : i32
        %lt3A_37 = arith.constant 0 : i32
        %lt3A_38 = arith.cmpi slt, %select_n3A_31, %lt3A_37 : i32
        %ne3A_39 = arith.xori %lt3A_36, %lt3A_38 : i1
        %and3A_40 = arith.andi %ne3A_39, %ne3A_34 : i1
        %add3A_41 = arith.addi %rem3A_32, %select_n3A_31 : i32
        %select_n3A_42 = arith.select %and3A_40, %add3A_41, %rem3A_32 : i32
        %mul3A_43 = arith.constant 128 : i32
        %mul3A_44 = arith.muli %select_n3A_42, %mul3A_43 : i32
        %scan3A_45 = arith.constant 0 : i32
        %scan3A_46 = arith.constant 0 : i32
        %scan3A_47 = arith.constant 10 : i32
        %scan3A_48 = arith.addi %scan3A_46, %scan3A_47 : i32
        %scan3A_49 = arith.constant 1 : i32
        scf.for %scan3A_51 = %scan3A_46 to %scan3A_48 step %scan3A_49  : i32 {
          %mul3A_52 = arith.constant 8 : i32
          %mul3A_53 = arith.muli %scan3A_51, %mul3A_52 : i32
          "tpu.region"() ({
            %run_scoped3A = tpu.sem_alloc : memref<!tpu.dma_semaphore, #tpu.memory_space<semaphore_mem>>
            %dma_start3A_289 = tpu.memref_slice %arg2[%select_n3A, %mul3A_53, %mul3A_44] : memref<50x80x1024xf32, #tpu.memory_space<hbm>> -> memref<1x8x128xf32, #tpu.memory_space<hbm>>
            %dma_start3A_290 = tpu.memref_squeeze %dma_start3A_289 : memref<1x8x128xf32, #tpu.memory_space<hbm>> -> memref<8x128xf32, #tpu.memory_space<hbm>>
            %dma_start3A_291 = tpu.memref_slice %arg2[%select_n3A, %mul3A_53, %mul3A_44] : memref<50x80x1024xf32, #tpu.memory_space<hbm>> -> memref<1x8x128xf32, #tpu.memory_space<hbm>>
            %dma_start3A_292 = tpu.memref_squeeze %dma_start3A_291 : memref<1x8x128xf32, #tpu.memory_space<hbm>> -> memref<8x128xf32, #tpu.memory_space<hbm>>
            tpu.enqueue_dma source(%dma_start3A_292 : memref<8x128xf32, #tpu.memory_space<hbm>>) target(%arg5 : memref<8x128xf32, #tpu.memory_space<vmem>>) target_semaphore(%run_scoped3A : memref<!tpu.dma_semaphore, #tpu.memory_space<semaphore_mem>>)
            %dma_wait3A_293 = tpu.memref_slice %arg2[%select_n3A, %mul3A_53, %mul3A_44] : memref<50x80x1024xf32, #tpu.memory_space<hbm>> -> memref<1x8x128xf32, #tpu.memory_space<hbm>>
            %dma_wait3A_294 = tpu.memref_squeeze %dma_wait3A_293 : memref<1x8x128xf32, #tpu.memory_space<hbm>> -> memref<8x128xf32, #tpu.memory_space<hbm>>
            %dma_wait3A_295 = tpu.memref_slice %arg2[%select_n3A, %mul3A_53, %mul3A_44] : memref<50x80x1024xf32, #tpu.memory_space<hbm>> -> memref<1x8x128xf32, #tpu.memory_space<hbm>>
            %dma_wait3A_296 = tpu.memref_squeeze %dma_wait3A_295 : memref<1x8x128xf32, #tpu.memory_space<hbm>> -> memref<8x128xf32, #tpu.memory_space<hbm>>
            tpu.wait_dma2 semaphore(%run_scoped3A : memref<!tpu.dma_semaphore, #tpu.memory_space<semaphore_mem>>) src(%dma_wait3A_296 : memref<8x128xf32, #tpu.memory_space<hbm>>) dst(%arg5 : memref<8x128xf32, #tpu.memory_space<vmem>>)
            tpu.yield
          }) : () -> ()
          %mul3A_54 = arith.constant 2 : i32
          %mul3A_55 = arith.muli %scan3A_51, %mul3A_54 : i32
          %add3A_56 = arith.constant 0 : i32
          %add3A_57 = arith.addi %mul3A_55, %add3A_56 : i32
          %get3A = arith.constant 0 : i32
          %get3A_58 = arith.index_cast %get3A : i32 to index
          %get3A_59 = arith.constant 0 : index
          %get3A_60 = tpu.vector_load %arg5[%get3A_58, %get3A_59] {strides = array<i32>} : memref<8x128xf32, #tpu.memory_space<vmem>>, vector<16xf32>,
          %convert_element_type3A_61 = arith.fptosi %get3A_60 : vector<16xf32> to vector<16xi32>
          %shift_right_logical3A = arith.constant 2 : i32
          %shift_right_logical3A_62 = vector.broadcast %shift_right_logical3A : i32 to vector<16xi32>
          %shift_right_logical3A_63 = arith.shrui %convert_element_type3A_61, %shift_right_logical3A_62 : vector<16xi32>
          %swap3A = arith.constant 0 : i32
          %swap3A_64 = arith.index_cast %swap3A : i32 to index
          %swap3A_65 = arith.constant 0 : index
          %swap3A_66 = tpu.vector_load %arg6[%swap3A_64, %swap3A_65] {strides = array<i32>} : memref<1x128xi32, #tpu.memory_space<vmem>>, vector<16xi32>,
          tpu.vector_store %arg6[%swap3A_64, %swap3A_65], %shift_right_logical3A_63 {strides = array<i32>} : memref<1x128xi32, #tpu.memory_space<vmem>>, vector<16xi32>,
          %get3A_67 = arith.constant 0 : i32
          %get3A_68 = arith.index_cast %get3A_67 : i32 to index
          %get3A_69 = arith.constant 16 : index
          %get3A_70 = tpu.vector_load %arg5[%get3A_68, %get3A_69] {strides = array<i32>} : memref<8x128xf32, #tpu.memory_space<vmem>>, vector<16xf32>,
          %convert_element_type3A_71 = arith.fptosi %get3A_70 : vector<16xf32> to vector<16xi32>
          %shift_right_logical3A_72 = arith.constant 2 : i32
          %shift_right_logical3A_73 = vector.broadcast %shift_right_logical3A_72 : i32 to vector<16xi32>
          %shift_right_logical3A_74 = arith.shrui %convert_element_type3A_71, %shift_right_logical3A_73 : vector<16xi32>
          %swap3A_75 = arith.constant 0 : i32
          %swap3A_76 = arith.index_cast %swap3A_75 : i32 to index
          %swap3A_77 = arith.constant 16 : index
          %swap3A_78 = tpu.vector_load %arg6[%swap3A_76, %swap3A_77] {strides = array<i32>} : memref<1x128xi32, #tpu.memory_space<vmem>>, vector<16xi32>,
          tpu.vector_store %arg6[%swap3A_76, %swap3A_77], %shift_right_logical3A_74 {strides = array<i32>} : memref<1x128xi32, #tpu.memory_space<vmem>>, vector<16xi32>,
          %get3A_79 = arith.constant 0 : i32
          %get3A_80 = arith.index_cast %get3A_79 : i32 to index
          %get3A_81 = arith.constant 32 : index
          %get3A_82 = tpu.vector_load %arg5[%get3A_80, %get3A_81] {strides = array<i32>} : memref<8x128xf32, #tpu.memory_space<vmem>>, vector<16xf32>,
          %convert_element_type3A_83 = arith.fptosi %get3A_82 : vector<16xf32> to vector<16xi32>
          %shift_right_logical3A_84 = arith.constant 2 : i32
          %shift_right_logical3A_85 = vector.broadcast %shift_right_logical3A_84 : i32 to vector<16xi32>
          %shift_right_logical3A_86 = arith.shrui %convert_element_type3A_83, %shift_right_logical3A_85 : vector<16xi32>
          %swap3A_87 = arith.constant 0 : i32
          %swap3A_88 = arith.index_cast %swap3A_87 : i32 to index
          %swap3A_89 = arith.constant 32 : index
          %swap3A_90 = tpu.vector_load %arg6[%swap3A_88, %swap3A_89] {strides = array<i32>} : memref<1x128xi32, #tpu.memory_space<vmem>>, vector<16xi32>,
          tpu.vector_store %arg6[%swap3A_88, %swap3A_89], %shift_right_logical3A_86 {strides = array<i32>} : memref<1x128xi32, #tpu.memory_space<vmem>>, vector<16xi32>,
          %get3A_91 = arith.constant 0 : i32
          %get3A_92 = arith.index_cast %get3A_91 : i32 to index
          %get3A_93 = arith.constant 48 : index
          %get3A_94 = tpu.vector_load %arg5[%get3A_92, %get3A_93] {strides = array<i32>} : memref<8x128xf32, #tpu.memory_space<vmem>>, vector<16xf32>,
          %convert_element_type3A_95 = arith.fptosi %get3A_94 : vector<16xf32> to vector<16xi32>
          %shift_right_logical3A_96 = arith.constant 2 : i32
          %shift_right_logical3A_97 = vector.broadcast %shift_right_logical3A_96 : i32 to vector<16xi32>
          %shift_right_logical3A_98 = arith.shrui %convert_element_type3A_95, %shift_right_logical3A_97 : vector<16xi32>
          %swap3A_99 = arith.constant 0 : i32
          %swap3A_100 = arith.index_cast %swap3A_99 : i32 to index
          %swap3A_101 = arith.constant 48 : index
          %swap3A_102 = tpu.vector_load %arg6[%swap3A_100, %swap3A_101] {strides = array<i32>} : memref<1x128xi32, #tpu.memory_space<vmem>>, vector<16xi32>,
          tpu.vector_store %arg6[%swap3A_100, %swap3A_101], %shift_right_logical3A_98 {strides = array<i32>} : memref<1x128xi32, #tpu.memory_space<vmem>>, vector<16xi32>,
          %get3A_103 = arith.constant 0 : i32
          %get3A_104 = arith.index_cast %get3A_103 : i32 to index
          %get3A_105 = arith.constant 64 : index
          %get3A_106 = tpu.vector_load %arg5[%get3A_104, %get3A_105] {strides = array<i32>} : memref<8x128xf32, #tpu.memory_space<vmem>>, vector<16xf32>,
          %convert_element_type3A_107 = arith.fptosi %get3A_106 : vector<16xf32> to vector<16xi32>
          %shift_right_logical3A_108 = arith.constant 2 : i32
          %shift_right_logical3A_109 = vector.broadcast %shift_right_logical3A_108 : i32 to vector<16xi32>
          %shift_right_logical3A_110 = arith.shrui %convert_element_type3A_107, %shift_right_logical3A_109 : vector<16xi32>
          %swap3A_111 = arith.constant 0 : i32
          %swap3A_112 = arith.index_cast %swap3A_111 : i32 to index
          %swap3A_113 = arith.constant 64 : index
          %swap3A_114 = tpu.vector_load %arg6[%swap3A_112, %swap3A_113] {strides = array<i32>} : memref<1x128xi32, #tpu.memory_space<vmem>>, vector<16xi32>,
          tpu.vector_store %arg6[%swap3A_112, %swap3A_113], %shift_right_logical3A_110 {strides = array<i32>} : memref<1x128xi32, #tpu.memory_space<vmem>>, vector<16xi32>,
          %get3A_115 = arith.constant 0 : i32
          %get3A_116 = arith.index_cast %get3A_115 : i32 to index
          %get3A_117 = arith.constant 80 : index
          %get3A_118 = tpu.vector_load %arg5[%get3A_116, %get3A_117] {strides = array<i32>} : memref<8x128xf32, #tpu.memory_space<vmem>>, vector<16xf32>,
          %convert_element_type3A_119 = arith.fptosi %get3A_118 : vector<16xf32> to vector<16xi32>
          %shift_right_logical3A_120 = arith.constant 2 : i32
          %shift_right_logical3A_121 = vector.broadcast %shift_right_logical3A_120 : i32 to vector<16xi32>
          %shift_right_logical3A_122 = arith.shrui %convert_element_type3A_119, %shift_right_logical3A_121 : vector<16xi32>
          %swap3A_123 = arith.constant 0 : i32
          %swap3A_124 = arith.index_cast %swap3A_123 : i32 to index
          %swap3A_125 = arith.constant 80 : index
          %swap3A_126 = tpu.vector_load %arg6[%swap3A_124, %swap3A_125] {strides = array<i32>} : memref<1x128xi32, #tpu.memory_space<vmem>>, vector<16xi32>,
          tpu.vector_store %arg6[%swap3A_124, %swap3A_125], %shift_right_logical3A_122 {strides = array<i32>} : memref<1x128xi32, #tpu.memory_space<vmem>>, vector<16xi32>,
          %get3A_127 = arith.constant 0 : i32
          %get3A_128 = arith.index_cast %get3A_127 : i32 to index
          %get3A_129 = arith.constant 96 : index
          %get3A_130 = tpu.vector_load %arg5[%get3A_128, %get3A_129] {strides = array<i32>} : memref<8x128xf32, #tpu.memory_space<vmem>>, vector<16xf32>,
          %convert_element_type3A_131 = arith.fptosi %get3A_130 : vector<16xf32> to vector<16xi32>
          %shift_right_logical3A_132 = arith.constant 2 : i32
          %shift_right_logical3A_133 = vector.broadcast %shift_right_logical3A_132 : i32 to vector<16xi32>
          %shift_right_logical3A_134 = arith.shrui %convert_element_type3A_131, %shift_right_logical3A_133 : vector<16xi32>
          %swap3A_135 = arith.constant 0 : i32
          %swap3A_136 = arith.index_cast %swap3A_135 : i32 to index
          %swap3A_137 = arith.constant 96 : index
          %swap3A_138 = tpu.vector_load %arg6[%swap3A_136, %swap3A_137] {strides = array<i32>} : memref<1x128xi32, #tpu.memory_space<vmem>>, vector<16xi32>,
          tpu.vector_store %arg6[%swap3A_136, %swap3A_137], %shift_right_logical3A_134 {strides = array<i32>} : memref<1x128xi32, #tpu.memory_space<vmem>>, vector<16xi32>,
          %get3A_139 = arith.constant 0 : i32
          %get3A_140 = arith.index_cast %get3A_139 : i32 to index
          %get3A_141 = arith.constant 112 : index
          %get3A_142 = tpu.vector_load %arg5[%get3A_140, %get3A_141] {strides = array<i32>} : memref<8x128xf32, #tpu.memory_space<vmem>>, vector<16xf32>,
          %convert_element_type3A_143 = arith.fptosi %get3A_142 : vector<16xf32> to vector<16xi32>
          %shift_right_logical3A_144 = arith.constant 2 : i32
          %shift_right_logical3A_145 = vector.broadcast %shift_right_logical3A_144 : i32 to vector<16xi32>
          %shift_right_logical3A_146 = arith.shrui %convert_element_type3A_143, %shift_right_logical3A_145 : vector<16xi32>
          %swap3A_147 = arith.constant 0 : i32
          %swap3A_148 = arith.index_cast %swap3A_147 : i32 to index
          %swap3A_149 = arith.constant 112 : index
          %swap3A_150 = tpu.vector_load %arg6[%swap3A_148, %swap3A_149] {strides = array<i32>} : memref<1x128xi32, #tpu.memory_space<vmem>>, vector<16xi32>,
          tpu.vector_store %arg6[%swap3A_148, %swap3A_149], %shift_right_logical3A_146 {strides = array<i32>} : memref<1x128xi32, #tpu.memory_space<vmem>>, vector<16xi32>,
          %dma_start3A = arith.constant 0 : i32
          %dma_start3A_151 = arith.constant 0 : i32
          %dma_start3A_152 = tpu.memref_slice %arg6[%dma_start3A, %dma_start3A_151] : memref<1x128xi32, #tpu.memory_space<vmem>> -> memref<1x128xi32, #tpu.memory_space<vmem>>
          %dma_start3A_153 = tpu.memref_squeeze %dma_start3A_152 : memref<1x128xi32, #tpu.memory_space<vmem>> -> memref<128xi32, #tpu.memory_space<vmem>>
          %dma_start3A_154 = arith.constant 0 : i32
          %dma_start3A_155 = arith.constant 0 : i32
          %dma_start3A_156 = tpu.memref_slice %arg3[%dma_start3A_154, %dma_start3A_155] : memref<250000x128xf32, #tpu.memory_space<hbm>> -> memref<250000x128xf32, #tpu.memory_space<hbm>>
          tpu.enqueue_indirect_dma source(%dma_start3A_156 : memref<250000x128xf32, #tpu.memory_space<hbm>>) target(%arg7 : memref<128x128xf32, #tpu.memory_space<vmem>>) offsets(%dma_start3A_153 : memref<128xi32, #tpu.memory_space<vmem>>) semaphore(%arg9 : memref<!tpu.dma_semaphore, #tpu.memory_space<semaphore_mem>>)
          %dma_wait3A = arith.constant 0 : i32
          %dma_wait3A_157 = arith.constant 0 : i32
          %dma_wait3A_158 = tpu.memref_slice %arg6[%dma_wait3A, %dma_wait3A_157] : memref<1x128xi32, #tpu.memory_space<vmem>> -> memref<1x128xi32, #tpu.memory_space<vmem>>
          %dma_wait3A_159 = tpu.memref_squeeze %dma_wait3A_158 : memref<1x128xi32, #tpu.memory_space<vmem>> -> memref<128xi32, #tpu.memory_space<vmem>>
          %dma_wait3A_160 = arith.constant 0 : i32
          %dma_wait3A_161 = arith.constant 0 : i32
          %dma_wait3A_162 = tpu.memref_slice %arg3[%dma_wait3A_160, %dma_wait3A_161] : memref<250000x128xf32, #tpu.memory_space<hbm>> -> memref<250000x128xf32, #tpu.memory_space<hbm>>
          tpu.wait_indirect_dma semaphore(%arg9 : memref<!tpu.dma_semaphore, #tpu.memory_space<semaphore_mem>>) src(%dma_wait3A_162 : memref<250000x128xf32, #tpu.memory_space<hbm>>) dst(%arg7 : memref<128x128xf32, #tpu.memory_space<vmem>>)
          %scan3A_163 = arith.constant 0 : i32
          %scan3A_164 = arith.constant 0 : i32
          %scan3A_165 = arith.constant 8 : i32
          %scan3A_166 = arith.addi %scan3A_164, %scan3A_165 : i32
          %scan3A_167 = arith.constant 1 : i32
          scf.for %scan3A_289 = %scan3A_164 to %scan3A_166 step %scan3A_167  : i32 {
            %iota3A = tpu.iota {dimensions = array<i32: 0>} : vector<16xi32>
            %mul3A_290 = arith.constant 16 : i32
            %mul3A_291 = arith.muli %scan3A_289, %mul3A_290 : i32
            %add3A_292 = vector.broadcast %mul3A_291 : i32 to vector<16xi32>
            %add3A_293 = arith.addi %iota3A, %add3A_292 : vector<16xi32>
            %mul3A_294 = arith.constant 16 : i32
            %mul3A_295 = arith.muli %scan3A_289, %mul3A_294 : i32
            %get3A_296 = arith.constant 0 : i32
            %get3A_297 = arith.index_cast %get3A_296 : i32 to index
            %get3A_298 = arith.index_cast %mul3A_295 : i32 to index
            %get3A_299 = tpu.vector_load %arg5[%get3A_297, %get3A_298] {strides = array<i32>} : memref<8x128xf32, #tpu.memory_space<vmem>>, vector<16xf32>,
            %convert_element_type3A_300 = arith.fptosi %get3A_299 : vector<16xf32> to vector<16xi32>
            %and3A_301 = arith.constant 3 : i32
            %and3A_302 = vector.broadcast %and3A_301 : i32 to vector<16xi32>
            %and3A_303 = arith.andi %convert_element_type3A_300, %and3A_302 : vector<16xi32>
            %shift_left3A = arith.constant 5 : i32
            %shift_left3A_304 = vector.broadcast %shift_left3A : i32 to vector<16xi32>
            %shift_left3A_305 = arith.shli %and3A_303, %shift_left3A_304 : vector<16xi32>
            %add3A_306 = arith.constant 0 : i32
            %add3A_307 = vector.broadcast %add3A_306 : i32 to vector<16xi32>
            %add3A_308 = arith.addi %shift_left3A_305, %add3A_307 : vector<16xi32>
            %gather3A = tpu.vector_load_idx %arg7[%add3A_293, %add3A_308] : memref<128x128xf32, #tpu.memory_space<vmem>>[vector<16xi32>, vector<16xi32>], vector<16xf32>,
            %mul3A_309 = arith.constant 35 : i32
            %mul3A_310 = arith.muli %add3A_57, %mul3A_309 : i32
            %add3A_311 = arith.constant 0 : i32
            %add3A_312 = arith.addi %mul3A_310, %add3A_311 : i32
            %mul3A_313 = arith.constant 16 : i32
            %mul3A_314 = arith.muli %scan3A_289, %mul3A_313 : i32
            %swap3A_315 = arith.index_cast %add3A_312 : i32 to index
            %swap3A_316 = arith.index_cast %mul3A_314 : i32 to index
            %swap3A_317 = tpu.vector_load %arg8[%swap3A_315, %swap3A_316] {strides = array<i32>} : memref<700x128xf32, #tpu.memory_space<vmem>>, vector<16xf32>,
            tpu.vector_store %arg8[%swap3A_315, %swap3A_316], %gather3A {strides = array<i32>} : memref<700x128xf32, #tpu.memory_space<vmem>>, vector<16xf32>,
            %add3A_318 = arith.constant 1 : i32
            %add3A_319 = vector.broadcast %add3A_318 : i32 to vector<16xi32>
            %add3A_320 = arith.addi %shift_left3A_305, %add3A_319 : vector<16xi32>
            %gather3A_321 = tpu.vector_load_idx %arg7[%add3A_293, %add3A_320] : memref<128x128xf32, #tpu.memory_space<vmem>>[vector<16xi32>, vector<16xi32>], vector<16xf32>,
            %mul3A_322 = arith.constant 35 : i32
            %mul3A_323 = arith.muli %add3A_57, %mul3A_322 : i32
            %add3A_324 = arith.constant 1 : i32
            %add3A_325 = arith.addi %mul3A_323, %add3A_324 : i32
            %mul3A_326 = arith.constant 16 : i32
            %mul3A_327 = arith.muli %scan3A_289, %mul3A_326 : i32
            %swap3A_328 = arith.index_cast %add3A_325 : i32 to index
            %swap3A_329 = arith.index_cast %mul3A_327 : i32 to index
            %swap3A_330 = tpu.vector_load %arg8[%swap3A_328, %swap3A_329] {strides = array<i32>} : memref<700x128xf32, #tpu.memory_space<vmem>>, vector<16xf32>,
            tpu.vector_store %arg8[%swap3A_328, %swap3A_329], %gather3A_321 {strides = array<i32>} : memref<700x128xf32, #tpu.memory_space<vmem>>, vector<16xf32>,
            %add3A_331 = arith.constant 2 : i32
            %add3A_332 = vector.broadcast %add3A_331 : i32 to vector<16xi32>
            %add3A_333 = arith.addi %shift_left3A_305, %add3A_332 : vector<16xi32>
            %gather3A_334 = tpu.vector_load_idx %arg7[%add3A_293, %add3A_333] : memref<128x128xf32, #tpu.memory_space<vmem>>[vector<16xi32>, vector<16xi32>], vector<16xf32>,
            %mul3A_335 = arith.constant 35 : i32
            %mul3A_336 = arith.muli %add3A_57, %mul3A_335 : i32
            %add3A_337 = arith.constant 2 : i32
            %add3A_338 = arith.addi %mul3A_336, %add3A_337 : i32
            %mul3A_339 = arith.constant 16 : i32
            %mul3A_340 = arith.muli %scan3A_289, %mul3A_339 : i32
            %swap3A_341 = arith.index_cast %add3A_338 : i32 to index
            %swap3A_342 = arith.index_cast %mul3A_340 : i32 to index
            %swap3A_343 = tpu.vector_load %arg8[%swap3A_341, %swap3A_342] {strides = array<i32>} : memref<700x128xf32, #tpu.memory_space<vmem>>, vector<16xf32>,
            tpu.vector_store %arg8[%swap3A_341, %swap3A_342], %gather3A_334 {strides = array<i32>} : memref<700x128xf32, #tpu.memory_space<vmem>>, vector<16xf32>,
            %add3A_344 = arith.constant 3 : i32
            %add3A_345 = vector.broadcast %add3A_344 : i32 to vector<16xi32>
            %add3A_346 = arith.addi %shift_left3A_305, %add3A_345 : vector<16xi32>
            %gather3A_347 = tpu.vector_load_idx %arg7[%add3A_293, %add3A_346] : memref<128x128xf32, #tpu.memory_space<vmem>>[vector<16xi32>, vector<16xi32>], vector<16xf32>,
            %mul3A_348 = arith.constant 35 : i32
            %mul3A_349 = arith.muli %add3A_57, %mul3A_348 : i32
            %add3A_350 = arith.constant 3 : i32
            %add3A_351 = arith.addi %mul3A_349, %add3A_350 : i32
            %mul3A_352 = arith.constant 16 : i32
            %mul3A_353 = arith.muli %scan3A_289, %mul3A_352 : i32
            %swap3A_354 = arith.index_cast %add3A_351 : i32 to index
            %swap3A_355 = arith.index_cast %mul3A_353 : i32 to index
            %swap3A_356 = tpu.vector_load %arg8[%swap3A_354, %swap3A_355] {strides = array<i32>} : memref<700x128xf32, #tpu.memory_space<vmem>>, vector<16xf32>,
            tpu.vector_store %arg8[%swap3A_354, %swap3A_355], %gather3A_347 {strides = array<i32>} : memref<700x128xf32, #tpu.memory_space<vmem>>, vector<16xf32>,
            %add3A_357 = arith.constant 4 : i32
            %add3A_358 = vector.broadcast %add3A_357 : i32 to vector<16xi32>
            %add3A_359 = arith.addi %shift_left3A_305, %add3A_358 : vector<16xi32>
            %gather3A_360 = tpu.vector_load_idx %arg7[%add3A_293, %add3A_359] : memref<128x128xf32, #tpu.memory_space<vmem>>[vector<16xi32>, vector<16xi32>], vector<16xf32>,
            %mul3A_361 = arith.constant 35 : i32
            %mul3A_362 = arith.muli %add3A_57, %mul3A_361 : i32
            %add3A_363 = arith.constant 4 : i32
            %add3A_364 = arith.addi %mul3A_362, %add3A_363 : i32
            %mul3A_365 = arith.constant 16 : i32
            %mul3A_366 = arith.muli %scan3A_289, %mul3A_365 : i32
            %swap3A_367 = arith.index_cast %add3A_364 : i32 to index
            %swap3A_368 = arith.index_cast %mul3A_366 : i32 to index
            %swap3A_369 = tpu.vector_load %arg8[%swap3A_367, %swap3A_368] {strides = array<i32>} : memref<700x128xf32, #tpu.memory_space<vmem>>, vector<16xf32>,
            tpu.vector_store %arg8[%swap3A_367, %swap3A_368], %gather3A_360 {strides = array<i32>} : memref<700x128xf32, #tpu.memory_space<vmem>>, vector<16xf32>,
            %add3A_370 = arith.constant 5 : i32
            %add3A_371 = vector.broadcast %add3A_370 : i32 to vector<16xi32>
            %add3A_372 = arith.addi %shift_left3A_305, %add3A_371 : vector<16xi32>
            %gather3A_373 = tpu.vector_load_idx %arg7[%add3A_293, %add3A_372] : memref<128x128xf32, #tpu.memory_space<vmem>>[vector<16xi32>, vector<16xi32>], vector<16xf32>,
            %mul3A_374 = arith.constant 35 : i32
            %mul3A_375 = arith.muli %add3A_57, %mul3A_374 : i32
            %add3A_376 = arith.constant 5 : i32
            %add3A_377 = arith.addi %mul3A_375, %add3A_376 : i32
            %mul3A_378 = arith.constant 16 : i32
            %mul3A_379 = arith.muli %scan3A_289, %mul3A_378 : i32
            %swap3A_380 = arith.index_cast %add3A_377 : i32 to index
            %swap3A_381 = arith.index_cast %mul3A_379 : i32 to index
            %swap3A_382 = tpu.vector_load %arg8[%swap3A_380, %swap3A_381] {strides = array<i32>} : memref<700x128xf32, #tpu.memory_space<vmem>>, vector<16xf32>,
            tpu.vector_store %arg8[%swap3A_380, %swap3A_381], %gather3A_373 {strides = array<i32>} : memref<700x128xf32, #tpu.memory_space<vmem>>, vector<16xf32>,
            %add3A_383 = arith.constant 6 : i32
            %add3A_384 = vector.broadcast %add3A_383 : i32 to vector<16xi32>
            %add3A_385 = arith.addi %shift_left3A_305, %add3A_384 : vector<16xi32>
            %gather3A_386 = tpu.vector_load_idx %arg7[%add3A_293, %add3A_385] : memref<128x128xf32, #tpu.memory_space<vmem>>[vector<16xi32>, vector<16xi32>], vector<16xf32>,
            %mul3A_387 = arith.constant 35 : i32
            %mul3A_388 = arith.muli %add3A_57, %mul3A_387 : i32
            %add3A_389 = arith.constant 6 : i32
            %add3A_390 = arith.addi %mul3A_388, %add3A_389 : i32
            %mul3A_391 = arith.constant 16 : i32
            %mul3A_392 = arith.muli %scan3A_289, %mul3A_391 : i32
            %swap3A_393 = arith.index_cast %add3A_390 : i32 to index
            %swap3A_394 = arith.index_cast %mul3A_392 : i32 to index
            %swap3A_395 = tpu.vector_load %arg8[%swap3A_393, %swap3A_394] {strides = array<i32>} : memref<700x128xf32, #tpu.memory_space<vmem>>, vector<16xf32>,
            tpu.vector_store %arg8[%swap3A_393, %swap3A_394], %gather3A_386 {strides = array<i32>} : memref<700x128xf32, #tpu.memory_space<vmem>>, vector<16xf32>,
            %add3A_396 = arith.constant 7 : i32
            %add3A_397 = vector.broadcast %add3A_396 : i32 to vector<16xi32>
            %add3A_398 = arith.addi %shift_left3A_305, %add3A_397 : vector<16xi32>
            %gather3A_399 = tpu.vector_load_idx %arg7[%add3A_293, %add3A_398] : memref<128x128xf32, #tpu.memory_space<vmem>>[vector<16xi32>, vector<16xi32>], vector<16xf32>,
            %mul3A_400 = arith.constant 35 : i32
            %mul3A_401 = arith.muli %add3A_57, %mul3A_400 : i32
            %add3A_402 = arith.constant 7 : i32
            %add3A_403 = arith.addi %mul3A_401, %add3A_402 : i32
            %mul3A_404 = arith.constant 16 : i32
            %mul3A_405 = arith.muli %scan3A_289, %mul3A_404 : i32
            %swap3A_406 = arith.index_cast %add3A_403 : i32 to index
            %swap3A_407 = arith.index_cast %mul3A_405 : i32 to index
            %swap3A_408 = tpu.vector_load %arg8[%swap3A_406, %swap3A_407] {strides = array<i32>} : memref<700x128xf32, #tpu.memory_space<vmem>>, vector<16xf32>,
            tpu.vector_store %arg8[%swap3A_406, %swap3A_407], %gather3A_399 {strides = array<i32>} : memref<700x128xf32, #tpu.memory_space<vmem>>, vector<16xf32>,
            %add3A_409 = arith.constant 8 : i32
            %add3A_410 = vector.broadcast %add3A_409 : i32 to vector<16xi32>
            %add3A_411 = arith.addi %shift_left3A_305, %add3A_410 : vector<16xi32>
            %gather3A_412 = tpu.vector_load_idx %arg7[%add3A_293, %add3A_411] : memref<128x128xf32, #tpu.memory_space<vmem>>[vector<16xi32>, vector<16xi32>], vector<16xf32>,
            %mul3A_413 = arith.constant 35 : i32
            %mul3A_414 = arith.muli %add3A_57, %mul3A_413 : i32
            %add3A_415 = arith.constant 8 : i32
            %add3A_416 = arith.addi %mul3A_414, %add3A_415 : i32
            %mul3A_417 = arith.constant 16 : i32
            %mul3A_418 = arith.muli %scan3A_289, %mul3A_417 : i32
            %swap3A_419 = arith.index_cast %add3A_416 : i32 to index
            %swap3A_420 = arith.index_cast %mul3A_418 : i32 to index
            %swap3A_421 = tpu.vector_load %arg8[%swap3A_419, %swap3A_420] {strides = array<i32>} : memref<700x128xf32, #tpu.memory_space<vmem>>, vector<16xf32>,
            tpu.vector_store %arg8[%swap3A_419, %swap3A_420], %gather3A_412 {strides = array<i32>} : memref<700x128xf32, #tpu.memory_space<vmem>>, vector<16xf32>,
            %add3A_422 = arith.constant 9 : i32
            %add3A_423 = vector.broadcast %add3A_422 : i32 to vector<16xi32>
            %add3A_424 = arith.addi %shift_left3A_305, %add3A_423 : vector<16xi32>
            %gather3A_425 = tpu.vector_load_idx %arg7[%add3A_293, %add3A_424] : memref<128x128xf32, #tpu.memory_space<vmem>>[vector<16xi32>, vector<16xi32>], vector<16xf32>,
            %mul3A_426 = arith.constant 35 : i32
            %mul3A_427 = arith.muli %add3A_57, %mul3A_426 : i32
            %add3A_428 = arith.constant 9 : i32
            %add3A_429 = arith.addi %mul3A_427, %add3A_428 : i32
            %mul3A_430 = arith.constant 16 : i32
            %mul3A_431 = arith.muli %scan3A_289, %mul3A_430 : i32
            %swap3A_432 = arith.index_cast %add3A_429 : i32 to index
            %swap3A_433 = arith.index_cast %mul3A_431 : i32 to index
            %swap3A_434 = tpu.vector_load %arg8[%swap3A_432, %swap3A_433] {strides = array<i32>} : memref<700x128xf32, #tpu.memory_space<vmem>>, vector<16xf32>,
            tpu.vector_store %arg8[%swap3A_432, %swap3A_433], %gather3A_425 {strides = array<i32>} : memref<700x128xf32, #tpu.memory_space<vmem>>, vector<16xf32>,
            %add3A_435 = arith.constant 10 : i32
            %add3A_436 = vector.broadcast %add3A_435 : i32 to vector<16xi32>
            %add3A_437 = arith.addi %shift_left3A_305, %add3A_436 : vector<16xi32>
            %gather3A_438 = tpu.vector_load_idx %arg7[%add3A_293, %add3A_437] : memref<128x128xf32, #tpu.memory_space<vmem>>[vector<16xi32>, vector<16xi32>], vector<16xf32>,
            %mul3A_439 = arith.constant 35 : i32
            %mul3A_440 = arith.muli %add3A_57, %mul3A_439 : i32
            %add3A_441 = arith.constant 10 : i32
            %add3A_442 = arith.addi %mul3A_440, %add3A_441 : i32
            %mul3A_443 = arith.constant 16 : i32
            %mul3A_444 = arith.muli %scan3A_289, %mul3A_443 : i32
            %swap3A_445 = arith.index_cast %add3A_442 : i32 to index
            %swap3A_446 = arith.index_cast %mul3A_444 : i32 to index
            %swap3A_447 = tpu.vector_load %arg8[%swap3A_445, %swap3A_446] {strides = array<i32>} : memref<700x128xf32, #tpu.memory_space<vmem>>, vector<16xf32>,
            tpu.vector_store %arg8[%swap3A_445, %swap3A_446], %gather3A_438 {strides = array<i32>} : memref<700x128xf32, #tpu.memory_space<vmem>>, vector<16xf32>,
            %add3A_448 = arith.constant 11 : i32
            %add3A_449 = vector.broadcast %add3A_448 : i32 to vector<16xi32>
            %add3A_450 = arith.addi %shift_left3A_305, %add3A_449 : vector<16xi32>
            %gather3A_451 = tpu.vector_load_idx %arg7[%add3A_293, %add3A_450] : memref<128x128xf32, #tpu.memory_space<vmem>>[vector<16xi32>, vector<16xi32>], vector<16xf32>,
            %mul3A_452 = arith.constant 35 : i32
            %mul3A_453 = arith.muli %add3A_57, %mul3A_452 : i32
            %add3A_454 = arith.constant 11 : i32
            %add3A_455 = arith.addi %mul3A_453, %add3A_454 : i32
            %mul3A_456 = arith.constant 16 : i32
            %mul3A_457 = arith.muli %scan3A_289, %mul3A_456 : i32
            %swap3A_458 = arith.index_cast %add3A_455 : i32 to index
            %swap3A_459 = arith.index_cast %mul3A_457 : i32 to index
            %swap3A_460 = tpu.vector_load %arg8[%swap3A_458, %swap3A_459] {strides = array<i32>} : memref<700x128xf32, #tpu.memory_space<vmem>>, vector<16xf32>,
            tpu.vector_store %arg8[%swap3A_458, %swap3A_459], %gather3A_451 {strides = array<i32>} : memref<700x128xf32, #tpu.memory_space<vmem>>, vector<16xf32>,
            %add3A_461 = arith.constant 12 : i32
            %add3A_462 = vector.broadcast %add3A_461 : i32 to vector<16xi32>
            %add3A_463 = arith.addi %shift_left3A_305, %add3A_462 : vector<16xi32>
            %gather3A_464 = tpu.vector_load_idx %arg7[%add3A_293, %add3A_463] : memref<128x128xf32, #tpu.memory_space<vmem>>[vector<16xi32>, vector<16xi32>], vector<16xf32>,
            %mul3A_465 = arith.constant 35 : i32
            %mul3A_466 = arith.muli %add3A_57, %mul3A_465 : i32
            %add3A_467 = arith.constant 12 : i32
            %add3A_468 = arith.addi %mul3A_466, %add3A_467 : i32
            %mul3A_469 = arith.constant 16 : i32
            %mul3A_470 = arith.muli %scan3A_289, %mul3A_469 : i32
            %swap3A_471 = arith.index_cast %add3A_468 : i32 to index
            %swap3A_472 = arith.index_cast %mul3A_470 : i32 to index
            %swap3A_473 = tpu.vector_load %arg8[%swap3A_471, %swap3A_472] {strides = array<i32>} : memref<700x128xf32, #tpu.memory_space<vmem>>, vector<16xf32>,
            tpu.vector_store %arg8[%swap3A_471, %swap3A_472], %gather3A_464 {strides = array<i32>} : memref<700x128xf32, #tpu.memory_space<vmem>>, vector<16xf32>,
            %add3A_474 = arith.constant 13 : i32
            %add3A_475 = vector.broadcast %add3A_474 : i32 to vector<16xi32>
            %add3A_476 = arith.addi %shift_left3A_305, %add3A_475 : vector<16xi32>
            %gather3A_477 = tpu.vector_load_idx %arg7[%add3A_293, %add3A_476] : memref<128x128xf32, #tpu.memory_space<vmem>>[vector<16xi32>, vector<16xi32>], vector<16xf32>,
            %mul3A_478 = arith.constant 35 : i32
            %mul3A_479 = arith.muli %add3A_57, %mul3A_478 : i32
            %add3A_480 = arith.constant 13 : i32
            %add3A_481 = arith.addi %mul3A_479, %add3A_480 : i32
            %mul3A_482 = arith.constant 16 : i32
            %mul3A_483 = arith.muli %scan3A_289, %mul3A_482 : i32
            %swap3A_484 = arith.index_cast %add3A_481 : i32 to index
            %swap3A_485 = arith.index_cast %mul3A_483 : i32 to index
            %swap3A_486 = tpu.vector_load %arg8[%swap3A_484, %swap3A_485] {strides = array<i32>} : memref<700x128xf32, #tpu.memory_space<vmem>>, vector<16xf32>,
            tpu.vector_store %arg8[%swap3A_484, %swap3A_485], %gather3A_477 {strides = array<i32>} : memref<700x128xf32, #tpu.memory_space<vmem>>, vector<16xf32>,
            %add3A_487 = arith.constant 14 : i32
            %add3A_488 = vector.broadcast %add3A_487 : i32 to vector<16xi32>
            %add3A_489 = arith.addi %shift_left3A_305, %add3A_488 : vector<16xi32>
            %gather3A_490 = tpu.vector_load_idx %arg7[%add3A_293, %add3A_489] : memref<128x128xf32, #tpu.memory_space<vmem>>[vector<16xi32>, vector<16xi32>], vector<16xf32>,
            %mul3A_491 = arith.constant 35 : i32
            %mul3A_492 = arith.muli %add3A_57, %mul3A_491 : i32
            %add3A_493 = arith.constant 14 : i32
            %add3A_494 = arith.addi %mul3A_492, %add3A_493 : i32
            %mul3A_495 = arith.constant 16 : i32
            %mul3A_496 = arith.muli %scan3A_289, %mul3A_495 : i32
            %swap3A_497 = arith.index_cast %add3A_494 : i32 to index
            %swap3A_498 = arith.index_cast %mul3A_496 : i32 to index
            %swap3A_499 = tpu.vector_load %arg8[%swap3A_497, %swap3A_498] {strides = array<i32>} : memref<700x128xf32, #tpu.memory_space<vmem>>, vector<16xf32>,
            tpu.vector_store %arg8[%swap3A_497, %swap3A_498], %gather3A_490 {strides = array<i32>} : memref<700x128xf32, #tpu.memory_space<vmem>>, vector<16xf32>,
            %add3A_500 = arith.constant 15 : i32
            %add3A_501 = vector.broadcast %add3A_500 : i32 to vector<16xi32>
            %add3A_502 = arith.addi %shift_left3A_305, %add3A_501 : vector<16xi32>
            %gather3A_503 = tpu.vector_load_idx %arg7[%add3A_293, %add3A_502] : memref<128x128xf32, #tpu.memory_space<vmem>>[vector<16xi32>, vector<16xi32>], vector<16xf32>,
            %mul3A_504 = arith.constant 35 : i32
            %mul3A_505 = arith.muli %add3A_57, %mul3A_504 : i32
            %add3A_506 = arith.constant 15 : i32
            %add3A_507 = arith.addi %mul3A_505, %add3A_506 : i32
            %mul3A_508 = arith.constant 16 : i32
            %mul3A_509 = arith.muli %scan3A_289, %mul3A_508 : i32
            %swap3A_510 = arith.index_cast %add3A_507 : i32 to index
            %swap3A_511 = arith.index_cast %mul3A_509 : i32 to index
            %swap3A_512 = tpu.vector_load %arg8[%swap3A_510, %swap3A_511] {strides = array<i32>} : memref<700x128xf32, #tpu.memory_space<vmem>>, vector<16xf32>,
            tpu.vector_store %arg8[%swap3A_510, %swap3A_511], %gather3A_503 {strides = array<i32>} : memref<700x128xf32, #tpu.memory_space<vmem>>, vector<16xf32>,
            %add3A_513 = arith.constant 16 : i32
            %add3A_514 = vector.broadcast %add3A_513 : i32 to vector<16xi32>
            %add3A_515 = arith.addi %shift_left3A_305, %add3A_514 : vector<16xi32>
            %gather3A_516 = tpu.vector_load_idx %arg7[%add3A_293, %add3A_515] : memref<128x128xf32, #tpu.memory_space<vmem>>[vector<16xi32>, vector<16xi32>], vector<16xf32>,
            %mul3A_517 = arith.constant 35 : i32
            %mul3A_518 = arith.muli %add3A_57, %mul3A_517 : i32
            %add3A_519 = arith.constant 16 : i32
            %add3A_520 = arith.addi %mul3A_518, %add3A_519 : i32
            %mul3A_521 = arith.constant 16 : i32
            %mul3A_522 = arith.muli %scan3A_289, %mul3A_521 : i32
            %swap3A_523 = arith.index_cast %add3A_520 : i32 to index
            %swap3A_524 = arith.index_cast %mul3A_522 : i32 to index
            %swap3A_525 = tpu.vector_load %arg8[%swap3A_523, %swap3A_524] {strides = array<i32>} : memref<700x128xf32, #tpu.memory_space<vmem>>, vector<16xf32>,
            tpu.vector_store %arg8[%swap3A_523, %swap3A_524], %gather3A_516 {strides = array<i32>} : memref<700x128xf32, #tpu.memory_space<vmem>>, vector<16xf32>,
            %add3A_526 = arith.constant 17 : i32
            %add3A_527 = vector.broadcast %add3A_526 : i32 to vector<16xi32>
            %add3A_528 = arith.addi %shift_left3A_305, %add3A_527 : vector<16xi32>
            %gather3A_529 = tpu.vector_load_idx %arg7[%add3A_293, %add3A_528] : memref<128x128xf32, #tpu.memory_space<vmem>>[vector<16xi32>, vector<16xi32>], vector<16xf32>,
            %mul3A_530 = arith.constant 35 : i32
            %mul3A_531 = arith.muli %add3A_57, %mul3A_530 : i32
            %add3A_532 = arith.constant 17 : i32
            %add3A_533 = arith.addi %mul3A_531, %add3A_532 : i32
            %mul3A_534 = arith.constant 16 : i32
            %mul3A_535 = arith.muli %scan3A_289, %mul3A_534 : i32
            %swap3A_536 = arith.index_cast %add3A_533 : i32 to index
            %swap3A_537 = arith.index_cast %mul3A_535 : i32 to index
            %swap3A_538 = tpu.vector_load %arg8[%swap3A_536, %swap3A_537] {strides = array<i32>} : memref<700x128xf32, #tpu.memory_space<vmem>>, vector<16xf32>,
            tpu.vector_store %arg8[%swap3A_536, %swap3A_537], %gather3A_529 {strides = array<i32>} : memref<700x128xf32, #tpu.memory_space<vmem>>, vector<16xf32>,
            %add3A_539 = arith.constant 18 : i32
            %add3A_540 = vector.broadcast %add3A_539 : i32 to vector<16xi32>
            %add3A_541 = arith.addi %shift_left3A_305, %add3A_540 : vector<16xi32>
            %gather3A_542 = tpu.vector_load_idx %arg7[%add3A_293, %add3A_541] : memref<128x128xf32, #tpu.memory_space<vmem>>[vector<16xi32>, vector<16xi32>], vector<16xf32>,
            %mul3A_543 = arith.constant 35 : i32
            %mul3A_544 = arith.muli %add3A_57, %mul3A_543 : i32
            %add3A_545 = arith.constant 18 : i32
            %add3A_546 = arith.addi %mul3A_544, %add3A_545 : i32
            %mul3A_547 = arith.constant 16 : i32
            %mul3A_548 = arith.muli %scan3A_289, %mul3A_547 : i32
            %swap3A_549 = arith.index_cast %add3A_546 : i32 to index
            %swap3A_550 = arith.index_cast %mul3A_548 : i32 to index
            %swap3A_551 = tpu.vector_load %arg8[%swap3A_549, %swap3A_550] {strides = array<i32>} : memref<700x128xf32, #tpu.memory_space<vmem>>, vector<16xf32>,
            tpu.vector_store %arg8[%swap3A_549, %swap3A_550], %gather3A_542 {strides = array<i32>} : memref<700x128xf32, #tpu.memory_space<vmem>>, vector<16xf32>,
            %add3A_552 = arith.constant 19 : i32
            %add3A_553 = vector.broadcast %add3A_552 : i32 to vector<16xi32>
            %add3A_554 = arith.addi %shift_left3A_305, %add3A_553 : vector<16xi32>
            %gather3A_555 = tpu.vector_load_idx %arg7[%add3A_293, %add3A_554] : memref<128x128xf32, #tpu.memory_space<vmem>>[vector<16xi32>, vector<16xi32>], vector<16xf32>,
            %mul3A_556 = arith.constant 35 : i32
            %mul3A_557 = arith.muli %add3A_57, %mul3A_556 : i32
            %add3A_558 = arith.constant 19 : i32
            %add3A_559 = arith.addi %mul3A_557, %add3A_558 : i32
            %mul3A_560 = arith.constant 16 : i32
            %mul3A_561 = arith.muli %scan3A_289, %mul3A_560 : i32
            %swap3A_562 = arith.index_cast %add3A_559 : i32 to index
            %swap3A_563 = arith.index_cast %mul3A_561 : i32 to index
            %swap3A_564 = tpu.vector_load %arg8[%swap3A_562, %swap3A_563] {strides = array<i32>} : memref<700x128xf32, #tpu.memory_space<vmem>>, vector<16xf32>,
            tpu.vector_store %arg8[%swap3A_562, %swap3A_563], %gather3A_555 {strides = array<i32>} : memref<700x128xf32, #tpu.memory_space<vmem>>, vector<16xf32>,
            %add3A_565 = arith.constant 20 : i32
            %add3A_566 = vector.broadcast %add3A_565 : i32 to vector<16xi32>
            %add3A_567 = arith.addi %shift_left3A_305, %add3A_566 : vector<16xi32>
            %gather3A_568 = tpu.vector_load_idx %arg7[%add3A_293, %add3A_567] : memref<128x128xf32, #tpu.memory_space<vmem>>[vector<16xi32>, vector<16xi32>], vector<16xf32>,
            %mul3A_569 = arith.constant 35 : i32
            %mul3A_570 = arith.muli %add3A_57, %mul3A_569 : i32
            %add3A_571 = arith.constant 20 : i32
            %add3A_572 = arith.addi %mul3A_570, %add3A_571 : i32
            %mul3A_573 = arith.constant 16 : i32
            %mul3A_574 = arith.muli %scan3A_289, %mul3A_573 : i32
            %swap3A_575 = arith.index_cast %add3A_572 : i32 to index
            %swap3A_576 = arith.index_cast %mul3A_574 : i32 to index
            %swap3A_577 = tpu.vector_load %arg8[%swap3A_575, %swap3A_576] {strides = array<i32>} : memref<700x128xf32, #tpu.memory_space<vmem>>, vector<16xf32>,
            tpu.vector_store %arg8[%swap3A_575, %swap3A_576], %gather3A_568 {strides = array<i32>} : memref<700x128xf32, #tpu.memory_space<vmem>>, vector<16xf32>,
            %add3A_578 = arith.constant 21 : i32
            %add3A_579 = vector.broadcast %add3A_578 : i32 to vector<16xi32>
            %add3A_580 = arith.addi %shift_left3A_305, %add3A_579 : vector<16xi32>
            %gather3A_581 = tpu.vector_load_idx %arg7[%add3A_293, %add3A_580] : memref<128x128xf32, #tpu.memory_space<vmem>>[vector<16xi32>, vector<16xi32>], vector<16xf32>,
            %mul3A_582 = arith.constant 35 : i32
            %mul3A_583 = arith.muli %add3A_57, %mul3A_582 : i32
            %add3A_584 = arith.constant 21 : i32
            %add3A_585 = arith.addi %mul3A_583, %add3A_584 : i32
            %mul3A_586 = arith.constant 16 : i32
            %mul3A_587 = arith.muli %scan3A_289, %mul3A_586 : i32
            %swap3A_588 = arith.index_cast %add3A_585 : i32 to index
            %swap3A_589 = arith.index_cast %mul3A_587 : i32 to index
            %swap3A_590 = tpu.vector_load %arg8[%swap3A_588, %swap3A_589] {strides = array<i32>} : memref<700x128xf32, #tpu.memory_space<vmem>>, vector<16xf32>,
            tpu.vector_store %arg8[%swap3A_588, %swap3A_589], %gather3A_581 {strides = array<i32>} : memref<700x128xf32, #tpu.memory_space<vmem>>, vector<16xf32>,
            %add3A_591 = arith.constant 22 : i32
            %add3A_592 = vector.broadcast %add3A_591 : i32 to vector<16xi32>
            %add3A_593 = arith.addi %shift_left3A_305, %add3A_592 : vector<16xi32>
            %gather3A_594 = tpu.vector_load_idx %arg7[%add3A_293, %add3A_593] : memref<128x128xf32, #tpu.memory_space<vmem>>[vector<16xi32>, vector<16xi32>], vector<16xf32>,
            %mul3A_595 = arith.constant 35 : i32
            %mul3A_596 = arith.muli %add3A_57, %mul3A_595 : i32
            %add3A_597 = arith.constant 22 : i32
            %add3A_598 = arith.addi %mul3A_596, %add3A_597 : i32
            %mul3A_599 = arith.constant 16 : i32
            %mul3A_600 = arith.muli %scan3A_289, %mul3A_599 : i32
            %swap3A_601 = arith.index_cast %add3A_598 : i32 to index
            %swap3A_602 = arith.index_cast %mul3A_600 : i32 to index
            %swap3A_603 = tpu.vector_load %arg8[%swap3A_601, %swap3A_602] {strides = array<i32>} : memref<700x128xf32, #tpu.memory_space<vmem>>, vector<16xf32>,
            tpu.vector_store %arg8[%swap3A_601, %swap3A_602], %gather3A_594 {strides = array<i32>} : memref<700x128xf32, #tpu.memory_space<vmem>>, vector<16xf32>,
            %add3A_604 = arith.constant 23 : i32
            %add3A_605 = vector.broadcast %add3A_604 : i32 to vector<16xi32>
            %add3A_606 = arith.addi %shift_left3A_305, %add3A_605 : vector<16xi32>
            %gather3A_607 = tpu.vector_load_idx %arg7[%add3A_293, %add3A_606] : memref<128x128xf32, #tpu.memory_space<vmem>>[vector<16xi32>, vector<16xi32>], vector<16xf32>,
            %mul3A_608 = arith.constant 35 : i32
            %mul3A_609 = arith.muli %add3A_57, %mul3A_608 : i32
            %add3A_610 = arith.constant 23 : i32
            %add3A_611 = arith.addi %mul3A_609, %add3A_610 : i32
            %mul3A_612 = arith.constant 16 : i32
            %mul3A_613 = arith.muli %scan3A_289, %mul3A_612 : i32
            %swap3A_614 = arith.index_cast %add3A_611 : i32 to index
            %swap3A_615 = arith.index_cast %mul3A_613 : i32 to index
            %swap3A_616 = tpu.vector_load %arg8[%swap3A_614, %swap3A_615] {strides = array<i32>} : memref<700x128xf32, #tpu.memory_space<vmem>>, vector<16xf32>,
            tpu.vector_store %arg8[%swap3A_614, %swap3A_615], %gather3A_607 {strides = array<i32>} : memref<700x128xf32, #tpu.memory_space<vmem>>, vector<16xf32>,
            %add3A_617 = arith.constant 24 : i32
            %add3A_618 = vector.broadcast %add3A_617 : i32 to vector<16xi32>
            %add3A_619 = arith.addi %shift_left3A_305, %add3A_618 : vector<16xi32>
            %gather3A_620 = tpu.vector_load_idx %arg7[%add3A_293, %add3A_619] : memref<128x128xf32, #tpu.memory_space<vmem>>[vector<16xi32>, vector<16xi32>], vector<16xf32>,
            %mul3A_621 = arith.constant 35 : i32
            %mul3A_622 = arith.muli %add3A_57, %mul3A_621 : i32
            %add3A_623 = arith.constant 24 : i32
            %add3A_624 = arith.addi %mul3A_622, %add3A_623 : i32
            %mul3A_625 = arith.constant 16 : i32
            %mul3A_626 = arith.muli %scan3A_289, %mul3A_625 : i32
            %swap3A_627 = arith.index_cast %add3A_624 : i32 to index
            %swap3A_628 = arith.index_cast %mul3A_626 : i32 to index
            %swap3A_629 = tpu.vector_load %arg8[%swap3A_627, %swap3A_628] {strides = array<i32>} : memref<700x128xf32, #tpu.memory_space<vmem>>, vector<16xf32>,
            tpu.vector_store %arg8[%swap3A_627, %swap3A_628], %gather3A_620 {strides = array<i32>} : memref<700x128xf32, #tpu.memory_space<vmem>>, vector<16xf32>,
            %add3A_630 = arith.constant 25 : i32
            %add3A_631 = vector.broadcast %add3A_630 : i32 to vector<16xi32>
            %add3A_632 = arith.addi %shift_left3A_305, %add3A_631 : vector<16xi32>
            %gather3A_633 = tpu.vector_load_idx %arg7[%add3A_293, %add3A_632] : memref<128x128xf32, #tpu.memory_space<vmem>>[vector<16xi32>, vector<16xi32>], vector<16xf32>,
            %mul3A_634 = arith.constant 35 : i32
            %mul3A_635 = arith.muli %add3A_57, %mul3A_634 : i32
            %add3A_636 = arith.constant 25 : i32
            %add3A_637 = arith.addi %mul3A_635, %add3A_636 : i32
            %mul3A_638 = arith.constant 16 : i32
            %mul3A_639 = arith.muli %scan3A_289, %mul3A_638 : i32
            %swap3A_640 = arith.index_cast %add3A_637 : i32 to index
            %swap3A_641 = arith.index_cast %mul3A_639 : i32 to index
            %swap3A_642 = tpu.vector_load %arg8[%swap3A_640, %swap3A_641] {strides = array<i32>} : memref<700x128xf32, #tpu.memory_space<vmem>>, vector<16xf32>,
            tpu.vector_store %arg8[%swap3A_640, %swap3A_641], %gather3A_633 {strides = array<i32>} : memref<700x128xf32, #tpu.memory_space<vmem>>, vector<16xf32>,
            %add3A_643 = arith.constant 26 : i32
            %add3A_644 = vector.broadcast %add3A_643 : i32 to vector<16xi32>
            %add3A_645 = arith.addi %shift_left3A_305, %add3A_644 : vector<16xi32>
            %gather3A_646 = tpu.vector_load_idx %arg7[%add3A_293, %add3A_645] : memref<128x128xf32, #tpu.memory_space<vmem>>[vector<16xi32>, vector<16xi32>], vector<16xf32>,
            %mul3A_647 = arith.constant 35 : i32
            %mul3A_648 = arith.muli %add3A_57, %mul3A_647 : i32
            %add3A_649 = arith.constant 26 : i32
            %add3A_650 = arith.addi %mul3A_648, %add3A_649 : i32
            %mul3A_651 = arith.constant 16 : i32
            %mul3A_652 = arith.muli %scan3A_289, %mul3A_651 : i32
            %swap3A_653 = arith.index_cast %add3A_650 : i32 to index
            %swap3A_654 = arith.index_cast %mul3A_652 : i32 to index
            %swap3A_655 = tpu.vector_load %arg8[%swap3A_653, %swap3A_654] {strides = array<i32>} : memref<700x128xf32, #tpu.memory_space<vmem>>, vector<16xf32>,
            tpu.vector_store %arg8[%swap3A_653, %swap3A_654], %gather3A_646 {strides = array<i32>} : memref<700x128xf32, #tpu.memory_space<vmem>>, vector<16xf32>,
            %add3A_656 = arith.constant 27 : i32
            %add3A_657 = vector.broadcast %add3A_656 : i32 to vector<16xi32>
            %add3A_658 = arith.addi %shift_left3A_305, %add3A_657 : vector<16xi32>
            %gather3A_659 = tpu.vector_load_idx %arg7[%add3A_293, %add3A_658] : memref<128x128xf32, #tpu.memory_space<vmem>>[vector<16xi32>, vector<16xi32>], vector<16xf32>,
            %mul3A_660 = arith.constant 35 : i32
            %mul3A_661 = arith.muli %add3A_57, %mul3A_660 : i32
            %add3A_662 = arith.constant 27 : i32
            %add3A_663 = arith.addi %mul3A_661, %add3A_662 : i32
            %mul3A_664 = arith.constant 16 : i32
            %mul3A_665 = arith.muli %scan3A_289, %mul3A_664 : i32
            %swap3A_666 = arith.index_cast %add3A_663 : i32 to index
            %swap3A_667 = arith.index_cast %mul3A_665 : i32 to index
            %swap3A_668 = tpu.vector_load %arg8[%swap3A_666, %swap3A_667] {strides = array<i32>} : memref<700x128xf32, #tpu.memory_space<vmem>>, vector<16xf32>,
            tpu.vector_store %arg8[%swap3A_666, %swap3A_667], %gather3A_659 {strides = array<i32>} : memref<700x128xf32, #tpu.memory_space<vmem>>, vector<16xf32>,
            %add3A_669 = arith.constant 28 : i32
            %add3A_670 = vector.broadcast %add3A_669 : i32 to vector<16xi32>
            %add3A_671 = arith.addi %shift_left3A_305, %add3A_670 : vector<16xi32>
            %gather3A_672 = tpu.vector_load_idx %arg7[%add3A_293, %add3A_671] : memref<128x128xf32, #tpu.memory_space<vmem>>[vector<16xi32>, vector<16xi32>], vector<16xf32>,
            %mul3A_673 = arith.constant 35 : i32
            %mul3A_674 = arith.muli %add3A_57, %mul3A_673 : i32
            %add3A_675 = arith.constant 28 : i32
            %add3A_676 = arith.addi %mul3A_674, %add3A_675 : i32
            %mul3A_677 = arith.constant 16 : i32
            %mul3A_678 = arith.muli %scan3A_289, %mul3A_677 : i32
            %swap3A_679 = arith.index_cast %add3A_676 : i32 to index
            %swap3A_680 = arith.index_cast %mul3A_678 : i32 to index
            %swap3A_681 = tpu.vector_load %arg8[%swap3A_679, %swap3A_680] {strides = array<i32>} : memref<700x128xf32, #tpu.memory_space<vmem>>, vector<16xf32>,
            tpu.vector_store %arg8[%swap3A_679, %swap3A_680], %gather3A_672 {strides = array<i32>} : memref<700x128xf32, #tpu.memory_space<vmem>>, vector<16xf32>,
            %add3A_682 = arith.constant 29 : i32
            %add3A_683 = vector.broadcast %add3A_682 : i32 to vector<16xi32>
            %add3A_684 = arith.addi %shift_left3A_305, %add3A_683 : vector<16xi32>
            %gather3A_685 = tpu.vector_load_idx %arg7[%add3A_293, %add3A_684] : memref<128x128xf32, #tpu.memory_space<vmem>>[vector<16xi32>, vector<16xi32>], vector<16xf32>,
            %mul3A_686 = arith.constant 35 : i32
            %mul3A_687 = arith.muli %add3A_57, %mul3A_686 : i32
            %add3A_688 = arith.constant 29 : i32
            %add3A_689 = arith.addi %mul3A_687, %add3A_688 : i32
            %mul3A_690 = arith.constant 16 : i32
            %mul3A_691 = arith.muli %scan3A_289, %mul3A_690 : i32
            %swap3A_692 = arith.index_cast %add3A_689 : i32 to index
            %swap3A_693 = arith.index_cast %mul3A_691 : i32 to index
            %swap3A_694 = tpu.vector_load %arg8[%swap3A_692, %swap3A_693] {strides = array<i32>} : memref<700x128xf32, #tpu.memory_space<vmem>>, vector<16xf32>,
            tpu.vector_store %arg8[%swap3A_692, %swap3A_693], %gather3A_685 {strides = array<i32>} : memref<700x128xf32, #tpu.memory_space<vmem>>, vector<16xf32>,
            %add3A_695 = arith.constant 30 : i32
            %add3A_696 = vector.broadcast %add3A_695 : i32 to vector<16xi32>
            %add3A_697 = arith.addi %shift_left3A_305, %add3A_696 : vector<16xi32>
            %gather3A_698 = tpu.vector_load_idx %arg7[%add3A_293, %add3A_697] : memref<128x128xf32, #tpu.memory_space<vmem>>[vector<16xi32>, vector<16xi32>], vector<16xf32>,
            %mul3A_699 = arith.constant 35 : i32
            %mul3A_700 = arith.muli %add3A_57, %mul3A_699 : i32
            %add3A_701 = arith.constant 30 : i32
            %add3A_702 = arith.addi %mul3A_700, %add3A_701 : i32
            %mul3A_703 = arith.constant 16 : i32
            %mul3A_704 = arith.muli %scan3A_289, %mul3A_703 : i32
            %swap3A_705 = arith.index_cast %add3A_702 : i32 to index
            %swap3A_706 = arith.index_cast %mul3A_704 : i32 to index
            %swap3A_707 = tpu.vector_load %arg8[%swap3A_705, %swap3A_706] {strides = array<i32>} : memref<700x128xf32, #tpu.memory_space<vmem>>, vector<16xf32>,
            tpu.vector_store %arg8[%swap3A_705, %swap3A_706], %gather3A_698 {strides = array<i32>} : memref<700x128xf32, #tpu.memory_space<vmem>>, vector<16xf32>,
            %add3A_708 = arith.constant 31 : i32
            %add3A_709 = vector.broadcast %add3A_708 : i32 to vector<16xi32>
            %add3A_710 = arith.addi %shift_left3A_305, %add3A_709 : vector<16xi32>
            %gather3A_711 = tpu.vector_load_idx %arg7[%add3A_293, %add3A_710] : memref<128x128xf32, #tpu.memory_space<vmem>>[vector<16xi32>, vector<16xi32>], vector<16xf32>,
            %mul3A_712 = arith.constant 35 : i32
            %mul3A_713 = arith.muli %add3A_57, %mul3A_712 : i32
            %add3A_714 = arith.constant 31 : i32
            %add3A_715 = arith.addi %mul3A_713, %add3A_714 : i32
            %mul3A_716 = arith.constant 16 : i32
            %mul3A_717 = arith.muli %scan3A_289, %mul3A_716 : i32
            %swap3A_718 = arith.index_cast %add3A_715 : i32 to index
            %swap3A_719 = arith.index_cast %mul3A_717 : i32 to index
            %swap3A_720 = tpu.vector_load %arg8[%swap3A_718, %swap3A_719] {strides = array<i32>} : memref<700x128xf32, #tpu.memory_space<vmem>>, vector<16xf32>,
            tpu.vector_store %arg8[%swap3A_718, %swap3A_719], %gather3A_711 {strides = array<i32>} : memref<700x128xf32, #tpu.memory_space<vmem>>, vector<16xf32>,
            %mul3A_721 = arith.constant 16 : i32
            %mul3A_722 = arith.muli %scan3A_289, %mul3A_721 : i32
            %get3A_723 = arith.constant 1 : i32
            %get3A_724 = arith.index_cast %get3A_723 : i32 to index
            %get3A_725 = arith.index_cast %mul3A_722 : i32 to index
            %get3A_726 = tpu.vector_load %arg5[%get3A_724, %get3A_725] {strides = array<i32>} : memref<8x128xf32, #tpu.memory_space<vmem>>, vector<16xf32>,
            %mul3A_727 = arith.constant 35 : i32
            %mul3A_728 = arith.muli %add3A_57, %mul3A_727 : i32
            %add3A_729 = arith.constant 32 : i32
            %add3A_730 = arith.addi %mul3A_728, %add3A_729 : i32
            %add3A_731 = arith.constant 1 : i32
            %add3A_732 = arith.addi %add3A_730, %add3A_731 : i32
            %sub3A_733 = arith.constant 1 : i32
            %sub3A_734 = arith.subi %add3A_732, %sub3A_733 : i32
            %mul3A_735 = arith.constant 16 : i32
            %mul3A_736 = arith.muli %scan3A_289, %mul3A_735 : i32
            %swap3A_737 = arith.index_cast %sub3A_734 : i32 to index
            %swap3A_738 = arith.index_cast %mul3A_736 : i32 to index
            %swap3A_739 = tpu.vector_load %arg8[%swap3A_737, %swap3A_738] {strides = array<i32>} : memref<700x128xf32, #tpu.memory_space<vmem>>, vector<16xf32>,
            tpu.vector_store %arg8[%swap3A_737, %swap3A_738], %get3A_726 {strides = array<i32>} : memref<700x128xf32, #tpu.memory_space<vmem>>, vector<16xf32>,
            %mul3A_740 = arith.constant 16 : i32
            %mul3A_741 = arith.muli %scan3A_289, %mul3A_740 : i32
            %get3A_742 = arith.constant 2 : i32
            %get3A_743 = arith.index_cast %get3A_742 : i32 to index
            %get3A_744 = arith.index_cast %mul3A_741 : i32 to index
            %get3A_745 = tpu.vector_load %arg5[%get3A_743, %get3A_744] {strides = array<i32>} : memref<8x128xf32, #tpu.memory_space<vmem>>, vector<16xf32>,
            %mul3A_746 = arith.constant 35 : i32
            %mul3A_747 = arith.muli %add3A_57, %mul3A_746 : i32
            %add3A_748 = arith.constant 32 : i32
            %add3A_749 = arith.addi %mul3A_747, %add3A_748 : i32
            %add3A_750 = arith.constant 2 : i32
            %add3A_751 = arith.addi %add3A_749, %add3A_750 : i32
            %sub3A_752 = arith.constant 1 : i32
            %sub3A_753 = arith.subi %add3A_751, %sub3A_752 : i32
            %mul3A_754 = arith.constant 16 : i32
            %mul3A_755 = arith.muli %scan3A_289, %mul3A_754 : i32
            %swap3A_756 = arith.index_cast %sub3A_753 : i32 to index
            %swap3A_757 = arith.index_cast %mul3A_755 : i32 to index
            %swap3A_758 = tpu.vector_load %arg8[%swap3A_756, %swap3A_757] {strides = array<i32>} : memref<700x128xf32, #tpu.memory_space<vmem>>, vector<16xf32>,
            tpu.vector_store %arg8[%swap3A_756, %swap3A_757], %get3A_745 {strides = array<i32>} : memref<700x128xf32, #tpu.memory_space<vmem>>, vector<16xf32>,
            %mul3A_759 = arith.constant 16 : i32
            %mul3A_760 = arith.muli %scan3A_289, %mul3A_759 : i32
            %get3A_761 = arith.constant 3 : i32
            %get3A_762 = arith.index_cast %get3A_761 : i32 to index
            %get3A_763 = arith.index_cast %mul3A_760 : i32 to index
            %get3A_764 = tpu.vector_load %arg5[%get3A_762, %get3A_763] {strides = array<i32>} : memref<8x128xf32, #tpu.memory_space<vmem>>, vector<16xf32>,
            %mul3A_765 = arith.constant 35 : i32
            %mul3A_766 = arith.muli %add3A_57, %mul3A_765 : i32
            %add3A_767 = arith.constant 32 : i32
            %add3A_768 = arith.addi %mul3A_766, %add3A_767 : i32
            %add3A_769 = arith.constant 3 : i32
            %add3A_770 = arith.addi %add3A_768, %add3A_769 : i32
            %sub3A_771 = arith.constant 1 : i32
            %sub3A_772 = arith.subi %add3A_770, %sub3A_771 : i32
            %mul3A_773 = arith.constant 16 : i32
            %mul3A_774 = arith.muli %scan3A_289, %mul3A_773 : i32
            %swap3A_775 = arith.index_cast %sub3A_772 : i32 to index
            %swap3A_776 = arith.index_cast %mul3A_774 : i32 to index
            %swap3A_777 = tpu.vector_load %arg8[%swap3A_775, %swap3A_776] {strides = array<i32>} : memref<700x128xf32, #tpu.memory_space<vmem>>, vector<16xf32>,
            tpu.vector_store %arg8[%swap3A_775, %swap3A_776], %get3A_764 {strides = array<i32>} : memref<700x128xf32, #tpu.memory_space<vmem>>, vector<16xf32>,
          }
          %scan3A_168 = arith.constant 8 : i32
          %mul3A_169 = arith.constant 2 : i32
          %mul3A_170 = arith.muli %scan3A_51, %mul3A_169 : i32
          %add3A_171 = arith.constant 1 : i32
          %add3A_172 = arith.addi %mul3A_170, %add3A_171 : i32
          %get3A_173 = arith.constant 4 : i32
          %get3A_174 = arith.index_cast %get3A_173 : i32 to index
          %get3A_175 = arith.constant 0 : index
          %get3A_176 = tpu.vector_load %arg5[%get3A_174, %get3A_175] {strides = array<i32>} : memref<8x128xf32, #tpu.memory_space<vmem>>, vector<16xf32>,
          %convert_element_type3A_177 = arith.fptosi %get3A_176 : vector<16xf32> to vector<16xi32>
          %shift_right_logical3A_178 = arith.constant 2 : i32
          %shift_right_logical3A_179 = vector.broadcast %shift_right_logical3A_178 : i32 to vector<16xi32>
          %shift_right_logical3A_180 = arith.shrui %convert_element_type3A_177, %shift_right_logical3A_179 : vector<16xi32>
          %swap3A_181 = arith.constant 0 : i32
          %swap3A_182 = arith.index_cast %swap3A_181 : i32 to index
          %swap3A_183 = arith.constant 0 : index
          %swap3A_184 = tpu.vector_load %arg6[%swap3A_182, %swap3A_183] {strides = array<i32>} : memref<1x128xi32, #tpu.memory_space<vmem>>, vector<16xi32>,
          tpu.vector_store %arg6[%swap3A_182, %swap3A_183], %shift_right_logical3A_180 {strides = array<i32>} : memref<1x128xi32, #tpu.memory_space<vmem>>, vector<16xi32>,
          %get3A_185 = arith.constant 4 : i32
          %get3A_186 = arith.index_cast %get3A_185 : i32 to index
          %get3A_187 = arith.constant 16 : index
          %get3A_188 = tpu.vector_load %arg5[%get3A_186, %get3A_187] {strides = array<i32>} : memref<8x128xf32, #tpu.memory_space<vmem>>, vector<16xf32>,
          %convert_element_type3A_189 = arith.fptosi %get3A_188 : vector<16xf32> to vector<16xi32>
          %shift_right_logical3A_190 = arith.constant 2 : i32
          %shift_right_logical3A_191 = vector.broadcast %shift_right_logical3A_190 : i32 to vector<16xi32>
          %shift_right_logical3A_192 = arith.shrui %convert_element_type3A_189, %shift_right_logical3A_191 : vector<16xi32>
          %swap3A_193 = arith.constant 0 : i32
          %swap3A_194 = arith.index_cast %swap3A_193 : i32 to index
          %swap3A_195 = arith.constant 16 : index
          %swap3A_196 = tpu.vector_load %arg6[%swap3A_194, %swap3A_195] {strides = array<i32>} : memref<1x128xi32, #tpu.memory_space<vmem>>, vector<16xi32>,
          tpu.vector_store %arg6[%swap3A_194, %swap3A_195], %shift_right_logical3A_192 {strides = array<i32>} : memref<1x128xi32, #tpu.memory_space<vmem>>, vector<16xi32>,
          %get3A_197 = arith.constant 4 : i32
          %get3A_198 = arith.index_cast %get3A_197 : i32 to index
          %get3A_199 = arith.constant 32 : index
          %get3A_200 = tpu.vector_load %arg5[%get3A_198, %get3A_199] {strides = array<i32>} : memref<8x128xf32, #tpu.memory_space<vmem>>, vector<16xf32>,
          %convert_element_type3A_201 = arith.fptosi %get3A_200 : vector<16xf32> to vector<16xi32>
          %shift_right_logical3A_202 = arith.constant 2 : i32
          %shift_right_logical3A_203 = vector.broadcast %shift_right_logical3A_202 : i32 to vector<16xi32>
          %shift_right_logical3A_204 = arith.shrui %convert_element_type3A_201, %shift_right_logical3A_203 : vector<16xi32>
          %swap3A_205 = arith.constant 0 : i32
          %swap3A_206 = arith.index_cast %swap3A_205 : i32 to index
          %swap3A_207 = arith.constant 32 : index
          %swap3A_208 = tpu.vector_load %arg6[%swap3A_206, %swap3A_207] {strides = array<i32>} : memref<1x128xi32, #tpu.memory_space<vmem>>, vector<16xi32>,
          tpu.vector_store %arg6[%swap3A_206, %swap3A_207], %shift_right_logical3A_204 {strides = array<i32>} : memref<1x128xi32, #tpu.memory_space<vmem>>, vector<16xi32>,
          %get3A_209 = arith.constant 4 : i32
          %get3A_210 = arith.index_cast %get3A_209 : i32 to index
          %get3A_211 = arith.constant 48 : index
          %get3A_212 = tpu.vector_load %arg5[%get3A_210, %get3A_211] {strides = array<i32>} : memref<8x128xf32, #tpu.memory_space<vmem>>, vector<16xf32>,
          %convert_element_type3A_213 = arith.fptosi %get3A_212 : vector<16xf32> to vector<16xi32>
          %shift_right_logical3A_214 = arith.constant 2 : i32
          %shift_right_logical3A_215 = vector.broadcast %shift_right_logical3A_214 : i32 to vector<16xi32>
          %shift_right_logical3A_216 = arith.shrui %convert_element_type3A_213, %shift_right_logical3A_215 : vector<16xi32>
          %swap3A_217 = arith.constant 0 : i32
          %swap3A_218 = arith.index_cast %swap3A_217 : i32 to index
          %swap3A_219 = arith.constant 48 : index
          %swap3A_220 = tpu.vector_load %arg6[%swap3A_218, %swap3A_219] {strides = array<i32>} : memref<1x128xi32, #tpu.memory_space<vmem>>, vector<16xi32>,
          tpu.vector_store %arg6[%swap3A_218, %swap3A_219], %shift_right_logical3A_216 {strides = array<i32>} : memref<1x128xi32, #tpu.memory_space<vmem>>, vector<16xi32>,
          %get3A_221 = arith.constant 4 : i32
          %get3A_222 = arith.index_cast %get3A_221 : i32 to index
          %get3A_223 = arith.constant 64 : index
          %get3A_224 = tpu.vector_load %arg5[%get3A_222, %get3A_223] {strides = array<i32>} : memref<8x128xf32, #tpu.memory_space<vmem>>, vector<16xf32>,
          %convert_element_type3A_225 = arith.fptosi %get3A_224 : vector<16xf32> to vector<16xi32>
          %shift_right_logical3A_226 = arith.constant 2 : i32
          %shift_right_logical3A_227 = vector.broadcast %shift_right_logical3A_226 : i32 to vector<16xi32>
          %shift_right_logical3A_228 = arith.shrui %convert_element_type3A_225, %shift_right_logical3A_227 : vector<16xi32>
          %swap3A_229 = arith.constant 0 : i32
          %swap3A_230 = arith.index_cast %swap3A_229 : i32 to index
          %swap3A_231 = arith.constant 64 : index
          %swap3A_232 = tpu.vector_load %arg6[%swap3A_230, %swap3A_231] {strides = array<i32>} : memref<1x128xi32, #tpu.memory_space<vmem>>, vector<16xi32>,
          tpu.vector_store %arg6[%swap3A_230, %swap3A_231], %shift_right_logical3A_228 {strides = array<i32>} : memref<1x128xi32, #tpu.memory_space<vmem>>, vector<16xi32>,
          %get3A_233 = arith.constant 4 : i32
          %get3A_234 = arith.index_cast %get3A_233 : i32 to index
          %get3A_235 = arith.constant 80 : index
          %get3A_236 = tpu.vector_load %arg5[%get3A_234, %get3A_235] {strides = array<i32>} : memref<8x128xf32, #tpu.memory_space<vmem>>, vector<16xf32>,
          %convert_element_type3A_237 = arith.fptosi %get3A_236 : vector<16xf32> to vector<16xi32>
          %shift_right_logical3A_238 = arith.constant 2 : i32
          %shift_right_logical3A_239 = vector.broadcast %shift_right_logical3A_238 : i32 to vector<16xi32>
          %shift_right_logical3A_240 = arith.shrui %convert_element_type3A_237, %shift_right_logical3A_239 : vector<16xi32>
          %swap3A_241 = arith.constant 0 : i32
          %swap3A_242 = arith.index_cast %swap3A_241 : i32 to index
          %swap3A_243 = arith.constant 80 : index
          %swap3A_244 = tpu.vector_load %arg6[%swap3A_242, %swap3A_243] {strides = array<i32>} : memref<1x128xi32, #tpu.memory_space<vmem>>, vector<16xi32>,
          tpu.vector_store %arg6[%swap3A_242, %swap3A_243], %shift_right_logical3A_240 {strides = array<i32>} : memref<1x128xi32, #tpu.memory_space<vmem>>, vector<16xi32>,
          %get3A_245 = arith.constant 4 : i32
          %get3A_246 = arith.index_cast %get3A_245 : i32 to index
          %get3A_247 = arith.constant 96 : index
          %get3A_248 = tpu.vector_load %arg5[%get3A_246, %get3A_247] {strides = array<i32>} : memref<8x128xf32, #tpu.memory_space<vmem>>, vector<16xf32>,
          %convert_element_type3A_249 = arith.fptosi %get3A_248 : vector<16xf32> to vector<16xi32>
          %shift_right_logical3A_250 = arith.constant 2 : i32
          %shift_right_logical3A_251 = vector.broadcast %shift_right_logical3A_250 : i32 to vector<16xi32>
          %shift_right_logical3A_252 = arith.shrui %convert_element_type3A_249, %shift_right_logical3A_251 : vector<16xi32>
          %swap3A_253 = arith.constant 0 : i32
          %swap3A_254 = arith.index_cast %swap3A_253 : i32 to index
          %swap3A_255 = arith.constant 96 : index
          %swap3A_256 = tpu.vector_load %arg6[%swap3A_254, %swap3A_255] {strides = array<i32>} : memref<1x128xi32, #tpu.memory_space<vmem>>, vector<16xi32>,
          tpu.vector_store %arg6[%swap3A_254, %swap3A_255], %shift_right_logical3A_252 {strides = array<i32>} : memref<1x128xi32, #tpu.memory_space<vmem>>, vector<16xi32>,
          %get3A_257 = arith.constant 4 : i32
          %get3A_258 = arith.index_cast %get3A_257 : i32 to index
          %get3A_259 = arith.constant 112 : index
          %get3A_260 = tpu.vector_load %arg5[%get3A_258, %get3A_259] {strides = array<i32>} : memref<8x128xf32, #tpu.memory_space<vmem>>, vector<16xf32>,
          %convert_element_type3A_261 = arith.fptosi %get3A_260 : vector<16xf32> to vector<16xi32>
          %shift_right_logical3A_262 = arith.constant 2 : i32
          %shift_right_logical3A_263 = vector.broadcast %shift_right_logical3A_262 : i32 to vector<16xi32>
          %shift_right_logical3A_264 = arith.shrui %convert_element_type3A_261, %shift_right_logical3A_263 : vector<16xi32>
          %swap3A_265 = arith.constant 0 : i32
          %swap3A_266 = arith.index_cast %swap3A_265 : i32 to index
          %swap3A_267 = arith.constant 112 : index
          %swap3A_268 = tpu.vector_load %arg6[%swap3A_266, %swap3A_267] {strides = array<i32>} : memref<1x128xi32, #tpu.memory_space<vmem>>, vector<16xi32>,
          tpu.vector_store %arg6[%swap3A_266, %swap3A_267], %shift_right_logical3A_264 {strides = array<i32>} : memref<1x128xi32, #tpu.memory_space<vmem>>, vector<16xi32>,
          %dma_start3A_269 = arith.constant 0 : i32
          %dma_start3A_270 = arith.constant 0 : i32
          %dma_start3A_271 = tpu.memref_slice %arg6[%dma_start3A_269, %dma_start3A_270] : memref<1x128xi32, #tpu.memory_space<vmem>> -> memref<1x128xi32, #tpu.memory_space<vmem>>
          %dma_start3A_272 = tpu.memref_squeeze %dma_start3A_271 : memref<1x128xi32, #tpu.memory_space<vmem>> -> memref<128xi32, #tpu.memory_space<vmem>>
          %dma_start3A_273 = arith.constant 0 : i32
          %dma_start3A_274 = arith.constant 0 : i32
          %dma_start3A_275 = tpu.memref_slice %arg3[%dma_start3A_273, %dma_start3A_274] : memref<250000x128xf32, #tpu.memory_space<hbm>> -> memref<250000x128xf32, #tpu.memory_space<hbm>>
          tpu.enqueue_indirect_dma source(%dma_start3A_275 : memref<250000x128xf32, #tpu.memory_space<hbm>>) target(%arg7 : memref<128x128xf32, #tpu.memory_space<vmem>>) offsets(%dma_start3A_272 : memref<128xi32, #tpu.memory_space<vmem>>) semaphore(%arg9 : memref<!tpu.dma_semaphore, #tpu.memory_space<semaphore_mem>>)
          %dma_wait3A_276 = arith.constant 0 : i32
          %dma_wait3A_277 = arith.constant 0 : i32
          %dma_wait3A_278 = tpu.memref_slice %arg6[%dma_wait3A_276, %dma_wait3A_277] : memref<1x128xi32, #tpu.memory_space<vmem>> -> memref<1x128xi32, #tpu.memory_space<vmem>>
          %dma_wait3A_279 = tpu.memref_squeeze %dma_wait3A_278 : memref<1x128xi32, #tpu.memory_space<vmem>> -> memref<128xi32, #tpu.memory_space<vmem>>
          %dma_wait3A_280 = arith.constant 0 : i32
          %dma_wait3A_281 = arith.constant 0 : i32
          %dma_wait3A_282 = tpu.memref_slice %arg3[%dma_wait3A_280, %dma_wait3A_281] : memref<250000x128xf32, #tpu.memory_space<hbm>> -> memref<250000x128xf32, #tpu.memory_space<hbm>>
          tpu.wait_indirect_dma semaphore(%arg9 : memref<!tpu.dma_semaphore, #tpu.memory_space<semaphore_mem>>) src(%dma_wait3A_282 : memref<250000x128xf32, #tpu.memory_space<hbm>>) dst(%arg7 : memref<128x128xf32, #tpu.memory_space<vmem>>)
          %scan3A_283 = arith.constant 0 : i32
          %scan3A_284 = arith.constant 0 : i32
          %scan3A_285 = arith.constant 8 : i32
          %scan3A_286 = arith.addi %scan3A_284, %scan3A_285 : i32
          %scan3A_287 = arith.constant 1 : i32
          scf.for %scan3A_289 = %scan3A_284 to %scan3A_286 step %scan3A_287  : i32 {
            %iota3A = tpu.iota {dimensions = array<i32: 0>} : vector<16xi32>
            %mul3A_290 = arith.constant 16 : i32
            %mul3A_291 = arith.muli %scan3A_289, %mul3A_290 : i32
            %add3A_292 = vector.broadcast %mul3A_291 : i32 to vector<16xi32>
            %add3A_293 = arith.addi %iota3A, %add3A_292 : vector<16xi32>
            %mul3A_294 = arith.constant 16 : i32
            %mul3A_295 = arith.muli %scan3A_289, %mul3A_294 : i32
            %get3A_296 = arith.constant 4 : i32
            %get3A_297 = arith.index_cast %get3A_296 : i32 to index
            %get3A_298 = arith.index_cast %mul3A_295 : i32 to index
            %get3A_299 = tpu.vector_load %arg5[%get3A_297, %get3A_298] {strides = array<i32>} : memref<8x128xf32, #tpu.memory_space<vmem>>, vector<16xf32>,
            %convert_element_type3A_300 = arith.fptosi %get3A_299 : vector<16xf32> to vector<16xi32>
            %and3A_301 = arith.constant 3 : i32
            %and3A_302 = vector.broadcast %and3A_301 : i32 to vector<16xi32>
            %and3A_303 = arith.andi %convert_element_type3A_300, %and3A_302 : vector<16xi32>
            %shift_left3A = arith.constant 5 : i32
            %shift_left3A_304 = vector.broadcast %shift_left3A : i32 to vector<16xi32>
            %shift_left3A_305 = arith.shli %and3A_303, %shift_left3A_304 : vector<16xi32>
            %add3A_306 = arith.constant 0 : i32
            %add3A_307 = vector.broadcast %add3A_306 : i32 to vector<16xi32>
            %add3A_308 = arith.addi %shift_left3A_305, %add3A_307 : vector<16xi32>
            %gather3A = tpu.vector_load_idx %arg7[%add3A_293, %add3A_308] : memref<128x128xf32, #tpu.memory_space<vmem>>[vector<16xi32>, vector<16xi32>], vector<16xf32>,
            %mul3A_309 = arith.constant 35 : i32
            %mul3A_310 = arith.muli %add3A_172, %mul3A_309 : i32
            %add3A_311 = arith.constant 0 : i32
            %add3A_312 = arith.addi %mul3A_310, %add3A_311 : i32
            %mul3A_313 = arith.constant 16 : i32
            %mul3A_314 = arith.muli %scan3A_289, %mul3A_313 : i32
            %swap3A_315 = arith.index_cast %add3A_312 : i32 to index
            %swap3A_316 = arith.index_cast %mul3A_314 : i32 to index
            %swap3A_317 = tpu.vector_load %arg8[%swap3A_315, %swap3A_316] {strides = array<i32>} : memref<700x128xf32, #tpu.memory_space<vmem>>, vector<16xf32>,
            tpu.vector_store %arg8[%swap3A_315, %swap3A_316], %gather3A {strides = array<i32>} : memref<700x128xf32, #tpu.memory_space<vmem>>, vector<16xf32>,
            %add3A_318 = arith.constant 1 : i32
            %add3A_319 = vector.broadcast %add3A_318 : i32 to vector<16xi32>
            %add3A_320 = arith.addi %shift_left3A_305, %add3A_319 : vector<16xi32>
            %gather3A_321 = tpu.vector_load_idx %arg7[%add3A_293, %add3A_320] : memref<128x128xf32, #tpu.memory_space<vmem>>[vector<16xi32>, vector<16xi32>], vector<16xf32>,
            %mul3A_322 = arith.constant 35 : i32
            %mul3A_323 = arith.muli %add3A_172, %mul3A_322 : i32
            %add3A_324 = arith.constant 1 : i32
            %add3A_325 = arith.addi %mul3A_323, %add3A_324 : i32
            %mul3A_326 = arith.constant 16 : i32
            %mul3A_327 = arith.muli %scan3A_289, %mul3A_326 : i32
            %swap3A_328 = arith.index_cast %add3A_325 : i32 to index
            %swap3A_329 = arith.index_cast %mul3A_327 : i32 to index
            %swap3A_330 = tpu.vector_load %arg8[%swap3A_328, %swap3A_329] {strides = array<i32>} : memref<700x128xf32, #tpu.memory_space<vmem>>, vector<16xf32>,
            tpu.vector_store %arg8[%swap3A_328, %swap3A_329], %gather3A_321 {strides = array<i32>} : memref<700x128xf32, #tpu.memory_space<vmem>>, vector<16xf32>,
            %add3A_331 = arith.constant 2 : i32
            %add3A_332 = vector.broadcast %add3A_331 : i32 to vector<16xi32>
            %add3A_333 = arith.addi %shift_left3A_305, %add3A_332 : vector<16xi32>
            %gather3A_334 = tpu.vector_load_idx %arg7[%add3A_293, %add3A_333] : memref<128x128xf32, #tpu.memory_space<vmem>>[vector<16xi32>, vector<16xi32>], vector<16xf32>,
            %mul3A_335 = arith.constant 35 : i32
            %mul3A_336 = arith.muli %add3A_172, %mul3A_335 : i32
            %add3A_337 = arith.constant 2 : i32
            %add3A_338 = arith.addi %mul3A_336, %add3A_337 : i32
            %mul3A_339 = arith.constant 16 : i32
            %mul3A_340 = arith.muli %scan3A_289, %mul3A_339 : i32
            %swap3A_341 = arith.index_cast %add3A_338 : i32 to index
            %swap3A_342 = arith.index_cast %mul3A_340 : i32 to index
            %swap3A_343 = tpu.vector_load %arg8[%swap3A_341, %swap3A_342] {strides = array<i32>} : memref<700x128xf32, #tpu.memory_space<vmem>>, vector<16xf32>,
            tpu.vector_store %arg8[%swap3A_341, %swap3A_342], %gather3A_334 {strides = array<i32>} : memref<700x128xf32, #tpu.memory_space<vmem>>, vector<16xf32>,
            %add3A_344 = arith.constant 3 : i32
            %add3A_345 = vector.broadcast %add3A_344 : i32 to vector<16xi32>
            %add3A_346 = arith.addi %shift_left3A_305, %add3A_345 : vector<16xi32>
            %gather3A_347 = tpu.vector_load_idx %arg7[%add3A_293, %add3A_346] : memref<128x128xf32, #tpu.memory_space<vmem>>[vector<16xi32>, vector<16xi32>], vector<16xf32>,
            %mul3A_348 = arith.constant 35 : i32
            %mul3A_349 = arith.muli %add3A_172, %mul3A_348 : i32
            %add3A_350 = arith.constant 3 : i32
            %add3A_351 = arith.addi %mul3A_349, %add3A_350 : i32
            %mul3A_352 = arith.constant 16 : i32
            %mul3A_353 = arith.muli %scan3A_289, %mul3A_352 : i32
            %swap3A_354 = arith.index_cast %add3A_351 : i32 to index
            %swap3A_355 = arith.index_cast %mul3A_353 : i32 to index
            %swap3A_356 = tpu.vector_load %arg8[%swap3A_354, %swap3A_355] {strides = array<i32>} : memref<700x128xf32, #tpu.memory_space<vmem>>, vector<16xf32>,
            tpu.vector_store %arg8[%swap3A_354, %swap3A_355], %gather3A_347 {strides = array<i32>} : memref<700x128xf32, #tpu.memory_space<vmem>>, vector<16xf32>,
            %add3A_357 = arith.constant 4 : i32
            %add3A_358 = vector.broadcast %add3A_357 : i32 to vector<16xi32>
            %add3A_359 = arith.addi %shift_left3A_305, %add3A_358 : vector<16xi32>
            %gather3A_360 = tpu.vector_load_idx %arg7[%add3A_293, %add3A_359] : memref<128x128xf32, #tpu.memory_space<vmem>>[vector<16xi32>, vector<16xi32>], vector<16xf32>,
            %mul3A_361 = arith.constant 35 : i32
            %mul3A_362 = arith.muli %add3A_172, %mul3A_361 : i32
            %add3A_363 = arith.constant 4 : i32
            %add3A_364 = arith.addi %mul3A_362, %add3A_363 : i32
            %mul3A_365 = arith.constant 16 : i32
            %mul3A_366 = arith.muli %scan3A_289, %mul3A_365 : i32
            %swap3A_367 = arith.index_cast %add3A_364 : i32 to index
            %swap3A_368 = arith.index_cast %mul3A_366 : i32 to index
            %swap3A_369 = tpu.vector_load %arg8[%swap3A_367, %swap3A_368] {strides = array<i32>} : memref<700x128xf32, #tpu.memory_space<vmem>>, vector<16xf32>,
            tpu.vector_store %arg8[%swap3A_367, %swap3A_368], %gather3A_360 {strides = array<i32>} : memref<700x128xf32, #tpu.memory_space<vmem>>, vector<16xf32>,
            %add3A_370 = arith.constant 5 : i32
            %add3A_371 = vector.broadcast %add3A_370 : i32 to vector<16xi32>
            %add3A_372 = arith.addi %shift_left3A_305, %add3A_371 : vector<16xi32>
            %gather3A_373 = tpu.vector_load_idx %arg7[%add3A_293, %add3A_372] : memref<128x128xf32, #tpu.memory_space<vmem>>[vector<16xi32>, vector<16xi32>], vector<16xf32>,
            %mul3A_374 = arith.constant 35 : i32
            %mul3A_375 = arith.muli %add3A_172, %mul3A_374 : i32
            %add3A_376 = arith.constant 5 : i32
            %add3A_377 = arith.addi %mul3A_375, %add3A_376 : i32
            %mul3A_378 = arith.constant 16 : i32
            %mul3A_379 = arith.muli %scan3A_289, %mul3A_378 : i32
            %swap3A_380 = arith.index_cast %add3A_377 : i32 to index
            %swap3A_381 = arith.index_cast %mul3A_379 : i32 to index
            %swap3A_382 = tpu.vector_load %arg8[%swap3A_380, %swap3A_381] {strides = array<i32>} : memref<700x128xf32, #tpu.memory_space<vmem>>, vector<16xf32>,
            tpu.vector_store %arg8[%swap3A_380, %swap3A_381], %gather3A_373 {strides = array<i32>} : memref<700x128xf32, #tpu.memory_space<vmem>>, vector<16xf32>,
            %add3A_383 = arith.constant 6 : i32
            %add3A_384 = vector.broadcast %add3A_383 : i32 to vector<16xi32>
            %add3A_385 = arith.addi %shift_left3A_305, %add3A_384 : vector<16xi32>
            %gather3A_386 = tpu.vector_load_idx %arg7[%add3A_293, %add3A_385] : memref<128x128xf32, #tpu.memory_space<vmem>>[vector<16xi32>, vector<16xi32>], vector<16xf32>,
            %mul3A_387 = arith.constant 35 : i32
            %mul3A_388 = arith.muli %add3A_172, %mul3A_387 : i32
            %add3A_389 = arith.constant 6 : i32
            %add3A_390 = arith.addi %mul3A_388, %add3A_389 : i32
            %mul3A_391 = arith.constant 16 : i32
            %mul3A_392 = arith.muli %scan3A_289, %mul3A_391 : i32
            %swap3A_393 = arith.index_cast %add3A_390 : i32 to index
            %swap3A_394 = arith.index_cast %mul3A_392 : i32 to index
            %swap3A_395 = tpu.vector_load %arg8[%swap3A_393, %swap3A_394] {strides = array<i32>} : memref<700x128xf32, #tpu.memory_space<vmem>>, vector<16xf32>,
            tpu.vector_store %arg8[%swap3A_393, %swap3A_394], %gather3A_386 {strides = array<i32>} : memref<700x128xf32, #tpu.memory_space<vmem>>, vector<16xf32>,
            %add3A_396 = arith.constant 7 : i32
            %add3A_397 = vector.broadcast %add3A_396 : i32 to vector<16xi32>
            %add3A_398 = arith.addi %shift_left3A_305, %add3A_397 : vector<16xi32>
            %gather3A_399 = tpu.vector_load_idx %arg7[%add3A_293, %add3A_398] : memref<128x128xf32, #tpu.memory_space<vmem>>[vector<16xi32>, vector<16xi32>], vector<16xf32>,
            %mul3A_400 = arith.constant 35 : i32
            %mul3A_401 = arith.muli %add3A_172, %mul3A_400 : i32
            %add3A_402 = arith.constant 7 : i32
            %add3A_403 = arith.addi %mul3A_401, %add3A_402 : i32
            %mul3A_404 = arith.constant 16 : i32
            %mul3A_405 = arith.muli %scan3A_289, %mul3A_404 : i32
            %swap3A_406 = arith.index_cast %add3A_403 : i32 to index
            %swap3A_407 = arith.index_cast %mul3A_405 : i32 to index
            %swap3A_408 = tpu.vector_load %arg8[%swap3A_406, %swap3A_407] {strides = array<i32>} : memref<700x128xf32, #tpu.memory_space<vmem>>, vector<16xf32>,
            tpu.vector_store %arg8[%swap3A_406, %swap3A_407], %gather3A_399 {strides = array<i32>} : memref<700x128xf32, #tpu.memory_space<vmem>>, vector<16xf32>,
            %add3A_409 = arith.constant 8 : i32
            %add3A_410 = vector.broadcast %add3A_409 : i32 to vector<16xi32>
            %add3A_411 = arith.addi %shift_left3A_305, %add3A_410 : vector<16xi32>
            %gather3A_412 = tpu.vector_load_idx %arg7[%add3A_293, %add3A_411] : memref<128x128xf32, #tpu.memory_space<vmem>>[vector<16xi32>, vector<16xi32>], vector<16xf32>,
            %mul3A_413 = arith.constant 35 : i32
            %mul3A_414 = arith.muli %add3A_172, %mul3A_413 : i32
            %add3A_415 = arith.constant 8 : i32
            %add3A_416 = arith.addi %mul3A_414, %add3A_415 : i32
            %mul3A_417 = arith.constant 16 : i32
            %mul3A_418 = arith.muli %scan3A_289, %mul3A_417 : i32
            %swap3A_419 = arith.index_cast %add3A_416 : i32 to index
            %swap3A_420 = arith.index_cast %mul3A_418 : i32 to index
            %swap3A_421 = tpu.vector_load %arg8[%swap3A_419, %swap3A_420] {strides = array<i32>} : memref<700x128xf32, #tpu.memory_space<vmem>>, vector<16xf32>,
            tpu.vector_store %arg8[%swap3A_419, %swap3A_420], %gather3A_412 {strides = array<i32>} : memref<700x128xf32, #tpu.memory_space<vmem>>, vector<16xf32>,
            %add3A_422 = arith.constant 9 : i32
            %add3A_423 = vector.broadcast %add3A_422 : i32 to vector<16xi32>
            %add3A_424 = arith.addi %shift_left3A_305, %add3A_423 : vector<16xi32>
            %gather3A_425 = tpu.vector_load_idx %arg7[%add3A_293, %add3A_424] : memref<128x128xf32, #tpu.memory_space<vmem>>[vector<16xi32>, vector<16xi32>], vector<16xf32>,
            %mul3A_426 = arith.constant 35 : i32
            %mul3A_427 = arith.muli %add3A_172, %mul3A_426 : i32
            %add3A_428 = arith.constant 9 : i32
            %add3A_429 = arith.addi %mul3A_427, %add3A_428 : i32
            %mul3A_430 = arith.constant 16 : i32
            %mul3A_431 = arith.muli %scan3A_289, %mul3A_430 : i32
            %swap3A_432 = arith.index_cast %add3A_429 : i32 to index
            %swap3A_433 = arith.index_cast %mul3A_431 : i32 to index
            %swap3A_434 = tpu.vector_load %arg8[%swap3A_432, %swap3A_433] {strides = array<i32>} : memref<700x128xf32, #tpu.memory_space<vmem>>, vector<16xf32>,
            tpu.vector_store %arg8[%swap3A_432, %swap3A_433], %gather3A_425 {strides = array<i32>} : memref<700x128xf32, #tpu.memory_space<vmem>>, vector<16xf32>,
            %add3A_435 = arith.constant 10 : i32
            %add3A_436 = vector.broadcast %add3A_435 : i32 to vector<16xi32>
            %add3A_437 = arith.addi %shift_left3A_305, %add3A_436 : vector<16xi32>
            %gather3A_438 = tpu.vector_load_idx %arg7[%add3A_293, %add3A_437] : memref<128x128xf32, #tpu.memory_space<vmem>>[vector<16xi32>, vector<16xi32>], vector<16xf32>,
            %mul3A_439 = arith.constant 35 : i32
            %mul3A_440 = arith.muli %add3A_172, %mul3A_439 : i32
            %add3A_441 = arith.constant 10 : i32
            %add3A_442 = arith.addi %mul3A_440, %add3A_441 : i32
            %mul3A_443 = arith.constant 16 : i32
            %mul3A_444 = arith.muli %scan3A_289, %mul3A_443 : i32
            %swap3A_445 = arith.index_cast %add3A_442 : i32 to index
            %swap3A_446 = arith.index_cast %mul3A_444 : i32 to index
            %swap3A_447 = tpu.vector_load %arg8[%swap3A_445, %swap3A_446] {strides = array<i32>} : memref<700x128xf32, #tpu.memory_space<vmem>>, vector<16xf32>,
            tpu.vector_store %arg8[%swap3A_445, %swap3A_446], %gather3A_438 {strides = array<i32>} : memref<700x128xf32, #tpu.memory_space<vmem>>, vector<16xf32>,
            %add3A_448 = arith.constant 11 : i32
            %add3A_449 = vector.broadcast %add3A_448 : i32 to vector<16xi32>
            %add3A_450 = arith.addi %shift_left3A_305, %add3A_449 : vector<16xi32>
            %gather3A_451 = tpu.vector_load_idx %arg7[%add3A_293, %add3A_450] : memref<128x128xf32, #tpu.memory_space<vmem>>[vector<16xi32>, vector<16xi32>], vector<16xf32>,
            %mul3A_452 = arith.constant 35 : i32
            %mul3A_453 = arith.muli %add3A_172, %mul3A_452 : i32
            %add3A_454 = arith.constant 11 : i32
            %add3A_455 = arith.addi %mul3A_453, %add3A_454 : i32
            %mul3A_456 = arith.constant 16 : i32
            %mul3A_457 = arith.muli %scan3A_289, %mul3A_456 : i32
            %swap3A_458 = arith.index_cast %add3A_455 : i32 to index
            %swap3A_459 = arith.index_cast %mul3A_457 : i32 to index
            %swap3A_460 = tpu.vector_load %arg8[%swap3A_458, %swap3A_459] {strides = array<i32>} : memref<700x128xf32, #tpu.memory_space<vmem>>, vector<16xf32>,
            tpu.vector_store %arg8[%swap3A_458, %swap3A_459], %gather3A_451 {strides = array<i32>} : memref<700x128xf32, #tpu.memory_space<vmem>>, vector<16xf32>,
            %add3A_461 = arith.constant 12 : i32
            %add3A_462 = vector.broadcast %add3A_461 : i32 to vector<16xi32>
            %add3A_463 = arith.addi %shift_left3A_305, %add3A_462 : vector<16xi32>
            %gather3A_464 = tpu.vector_load_idx %arg7[%add3A_293, %add3A_463] : memref<128x128xf32, #tpu.memory_space<vmem>>[vector<16xi32>, vector<16xi32>], vector<16xf32>,
            %mul3A_465 = arith.constant 35 : i32
            %mul3A_466 = arith.muli %add3A_172, %mul3A_465 : i32
            %add3A_467 = arith.constant 12 : i32
            %add3A_468 = arith.addi %mul3A_466, %add3A_467 : i32
            %mul3A_469 = arith.constant 16 : i32
            %mul3A_470 = arith.muli %scan3A_289, %mul3A_469 : i32
            %swap3A_471 = arith.index_cast %add3A_468 : i32 to index
            %swap3A_472 = arith.index_cast %mul3A_470 : i32 to index
            %swap3A_473 = tpu.vector_load %arg8[%swap3A_471, %swap3A_472] {strides = array<i32>} : memref<700x128xf32, #tpu.memory_space<vmem>>, vector<16xf32>,
            tpu.vector_store %arg8[%swap3A_471, %swap3A_472], %gather3A_464 {strides = array<i32>} : memref<700x128xf32, #tpu.memory_space<vmem>>, vector<16xf32>,
            %add3A_474 = arith.constant 13 : i32
            %add3A_475 = vector.broadcast %add3A_474 : i32 to vector<16xi32>
            %add3A_476 = arith.addi %shift_left3A_305, %add3A_475 : vector<16xi32>
            %gather3A_477 = tpu.vector_load_idx %arg7[%add3A_293, %add3A_476] : memref<128x128xf32, #tpu.memory_space<vmem>>[vector<16xi32>, vector<16xi32>], vector<16xf32>,
            %mul3A_478 = arith.constant 35 : i32
            %mul3A_479 = arith.muli %add3A_172, %mul3A_478 : i32
            %add3A_480 = arith.constant 13 : i32
            %add3A_481 = arith.addi %mul3A_479, %add3A_480 : i32
            %mul3A_482 = arith.constant 16 : i32
            %mul3A_483 = arith.muli %scan3A_289, %mul3A_482 : i32
            %swap3A_484 = arith.index_cast %add3A_481 : i32 to index
            %swap3A_485 = arith.index_cast %mul3A_483 : i32 to index
            %swap3A_486 = tpu.vector_load %arg8[%swap3A_484, %swap3A_485] {strides = array<i32>} : memref<700x128xf32, #tpu.memory_space<vmem>>, vector<16xf32>,
            tpu.vector_store %arg8[%swap3A_484, %swap3A_485], %gather3A_477 {strides = array<i32>} : memref<700x128xf32, #tpu.memory_space<vmem>>, vector<16xf32>,
            %add3A_487 = arith.constant 14 : i32
            %add3A_488 = vector.broadcast %add3A_487 : i32 to vector<16xi32>
            %add3A_489 = arith.addi %shift_left3A_305, %add3A_488 : vector<16xi32>
            %gather3A_490 = tpu.vector_load_idx %arg7[%add3A_293, %add3A_489] : memref<128x128xf32, #tpu.memory_space<vmem>>[vector<16xi32>, vector<16xi32>], vector<16xf32>,
            %mul3A_491 = arith.constant 35 : i32
            %mul3A_492 = arith.muli %add3A_172, %mul3A_491 : i32
            %add3A_493 = arith.constant 14 : i32
            %add3A_494 = arith.addi %mul3A_492, %add3A_493 : i32
            %mul3A_495 = arith.constant 16 : i32
            %mul3A_496 = arith.muli %scan3A_289, %mul3A_495 : i32
            %swap3A_497 = arith.index_cast %add3A_494 : i32 to index
            %swap3A_498 = arith.index_cast %mul3A_496 : i32 to index
            %swap3A_499 = tpu.vector_load %arg8[%swap3A_497, %swap3A_498] {strides = array<i32>} : memref<700x128xf32, #tpu.memory_space<vmem>>, vector<16xf32>,
            tpu.vector_store %arg8[%swap3A_497, %swap3A_498], %gather3A_490 {strides = array<i32>} : memref<700x128xf32, #tpu.memory_space<vmem>>, vector<16xf32>,
            %add3A_500 = arith.constant 15 : i32
            %add3A_501 = vector.broadcast %add3A_500 : i32 to vector<16xi32>
            %add3A_502 = arith.addi %shift_left3A_305, %add3A_501 : vector<16xi32>
            %gather3A_503 = tpu.vector_load_idx %arg7[%add3A_293, %add3A_502] : memref<128x128xf32, #tpu.memory_space<vmem>>[vector<16xi32>, vector<16xi32>], vector<16xf32>,
            %mul3A_504 = arith.constant 35 : i32
            %mul3A_505 = arith.muli %add3A_172, %mul3A_504 : i32
            %add3A_506 = arith.constant 15 : i32
            %add3A_507 = arith.addi %mul3A_505, %add3A_506 : i32
            %mul3A_508 = arith.constant 16 : i32
            %mul3A_509 = arith.muli %scan3A_289, %mul3A_508 : i32
            %swap3A_510 = arith.index_cast %add3A_507 : i32 to index
            %swap3A_511 = arith.index_cast %mul3A_509 : i32 to index
            %swap3A_512 = tpu.vector_load %arg8[%swap3A_510, %swap3A_511] {strides = array<i32>} : memref<700x128xf32, #tpu.memory_space<vmem>>, vector<16xf32>,
            tpu.vector_store %arg8[%swap3A_510, %swap3A_511], %gather3A_503 {strides = array<i32>} : memref<700x128xf32, #tpu.memory_space<vmem>>, vector<16xf32>,
            %add3A_513 = arith.constant 16 : i32
            %add3A_514 = vector.broadcast %add3A_513 : i32 to vector<16xi32>
            %add3A_515 = arith.addi %shift_left3A_305, %add3A_514 : vector<16xi32>
            %gather3A_516 = tpu.vector_load_idx %arg7[%add3A_293, %add3A_515] : memref<128x128xf32, #tpu.memory_space<vmem>>[vector<16xi32>, vector<16xi32>], vector<16xf32>,
            %mul3A_517 = arith.constant 35 : i32
            %mul3A_518 = arith.muli %add3A_172, %mul3A_517 : i32
            %add3A_519 = arith.constant 16 : i32
            %add3A_520 = arith.addi %mul3A_518, %add3A_519 : i32
            %mul3A_521 = arith.constant 16 : i32
            %mul3A_522 = arith.muli %scan3A_289, %mul3A_521 : i32
            %swap3A_523 = arith.index_cast %add3A_520 : i32 to index
            %swap3A_524 = arith.index_cast %mul3A_522 : i32 to index
            %swap3A_525 = tpu.vector_load %arg8[%swap3A_523, %swap3A_524] {strides = array<i32>} : memref<700x128xf32, #tpu.memory_space<vmem>>, vector<16xf32>,
            tpu.vector_store %arg8[%swap3A_523, %swap3A_524], %gather3A_516 {strides = array<i32>} : memref<700x128xf32, #tpu.memory_space<vmem>>, vector<16xf32>,
            %add3A_526 = arith.constant 17 : i32
            %add3A_527 = vector.broadcast %add3A_526 : i32 to vector<16xi32>
            %add3A_528 = arith.addi %shift_left3A_305, %add3A_527 : vector<16xi32>
            %gather3A_529 = tpu.vector_load_idx %arg7[%add3A_293, %add3A_528] : memref<128x128xf32, #tpu.memory_space<vmem>>[vector<16xi32>, vector<16xi32>], vector<16xf32>,
            %mul3A_530 = arith.constant 35 : i32
            %mul3A_531 = arith.muli %add3A_172, %mul3A_530 : i32
            %add3A_532 = arith.constant 17 : i32
            %add3A_533 = arith.addi %mul3A_531, %add3A_532 : i32
            %mul3A_534 = arith.constant 16 : i32
            %mul3A_535 = arith.muli %scan3A_289, %mul3A_534 : i32
            %swap3A_536 = arith.index_cast %add3A_533 : i32 to index
            %swap3A_537 = arith.index_cast %mul3A_535 : i32 to index
            %swap3A_538 = tpu.vector_load %arg8[%swap3A_536, %swap3A_537] {strides = array<i32>} : memref<700x128xf32, #tpu.memory_space<vmem>>, vector<16xf32>,
            tpu.vector_store %arg8[%swap3A_536, %swap3A_537], %gather3A_529 {strides = array<i32>} : memref<700x128xf32, #tpu.memory_space<vmem>>, vector<16xf32>,
            %add3A_539 = arith.constant 18 : i32
            %add3A_540 = vector.broadcast %add3A_539 : i32 to vector<16xi32>
            %add3A_541 = arith.addi %shift_left3A_305, %add3A_540 : vector<16xi32>
            %gather3A_542 = tpu.vector_load_idx %arg7[%add3A_293, %add3A_541] : memref<128x128xf32, #tpu.memory_space<vmem>>[vector<16xi32>, vector<16xi32>], vector<16xf32>,
            %mul3A_543 = arith.constant 35 : i32
            %mul3A_544 = arith.muli %add3A_172, %mul3A_543 : i32
            %add3A_545 = arith.constant 18 : i32
            %add3A_546 = arith.addi %mul3A_544, %add3A_545 : i32
            %mul3A_547 = arith.constant 16 : i32
            %mul3A_548 = arith.muli %scan3A_289, %mul3A_547 : i32
            %swap3A_549 = arith.index_cast %add3A_546 : i32 to index
            %swap3A_550 = arith.index_cast %mul3A_548 : i32 to index
            %swap3A_551 = tpu.vector_load %arg8[%swap3A_549, %swap3A_550] {strides = array<i32>} : memref<700x128xf32, #tpu.memory_space<vmem>>, vector<16xf32>,
            tpu.vector_store %arg8[%swap3A_549, %swap3A_550], %gather3A_542 {strides = array<i32>} : memref<700x128xf32, #tpu.memory_space<vmem>>, vector<16xf32>,
            %add3A_552 = arith.constant 19 : i32
            %add3A_553 = vector.broadcast %add3A_552 : i32 to vector<16xi32>
            %add3A_554 = arith.addi %shift_left3A_305, %add3A_553 : vector<16xi32>
            %gather3A_555 = tpu.vector_load_idx %arg7[%add3A_293, %add3A_554] : memref<128x128xf32, #tpu.memory_space<vmem>>[vector<16xi32>, vector<16xi32>], vector<16xf32>,
            %mul3A_556 = arith.constant 35 : i32
            %mul3A_557 = arith.muli %add3A_172, %mul3A_556 : i32
            %add3A_558 = arith.constant 19 : i32
            %add3A_559 = arith.addi %mul3A_557, %add3A_558 : i32
            %mul3A_560 = arith.constant 16 : i32
            %mul3A_561 = arith.muli %scan3A_289, %mul3A_560 : i32
            %swap3A_562 = arith.index_cast %add3A_559 : i32 to index
            %swap3A_563 = arith.index_cast %mul3A_561 : i32 to index
            %swap3A_564 = tpu.vector_load %arg8[%swap3A_562, %swap3A_563] {strides = array<i32>} : memref<700x128xf32, #tpu.memory_space<vmem>>, vector<16xf32>,
            tpu.vector_store %arg8[%swap3A_562, %swap3A_563], %gather3A_555 {strides = array<i32>} : memref<700x128xf32, #tpu.memory_space<vmem>>, vector<16xf32>,
            %add3A_565 = arith.constant 20 : i32
            %add3A_566 = vector.broadcast %add3A_565 : i32 to vector<16xi32>
            %add3A_567 = arith.addi %shift_left3A_305, %add3A_566 : vector<16xi32>
            %gather3A_568 = tpu.vector_load_idx %arg7[%add3A_293, %add3A_567] : memref<128x128xf32, #tpu.memory_space<vmem>>[vector<16xi32>, vector<16xi32>], vector<16xf32>,
            %mul3A_569 = arith.constant 35 : i32
            %mul3A_570 = arith.muli %add3A_172, %mul3A_569 : i32
            %add3A_571 = arith.constant 20 : i32
            %add3A_572 = arith.addi %mul3A_570, %add3A_571 : i32
            %mul3A_573 = arith.constant 16 : i32
            %mul3A_574 = arith.muli %scan3A_289, %mul3A_573 : i32
            %swap3A_575 = arith.index_cast %add3A_572 : i32 to index
            %swap3A_576 = arith.index_cast %mul3A_574 : i32 to index
            %swap3A_577 = tpu.vector_load %arg8[%swap3A_575, %swap3A_576] {strides = array<i32>} : memref<700x128xf32, #tpu.memory_space<vmem>>, vector<16xf32>,
            tpu.vector_store %arg8[%swap3A_575, %swap3A_576], %gather3A_568 {strides = array<i32>} : memref<700x128xf32, #tpu.memory_space<vmem>>, vector<16xf32>,
            %add3A_578 = arith.constant 21 : i32
            %add3A_579 = vector.broadcast %add3A_578 : i32 to vector<16xi32>
            %add3A_580 = arith.addi %shift_left3A_305, %add3A_579 : vector<16xi32>
            %gather3A_581 = tpu.vector_load_idx %arg7[%add3A_293, %add3A_580] : memref<128x128xf32, #tpu.memory_space<vmem>>[vector<16xi32>, vector<16xi32>], vector<16xf32>,
            %mul3A_582 = arith.constant 35 : i32
            %mul3A_583 = arith.muli %add3A_172, %mul3A_582 : i32
            %add3A_584 = arith.constant 21 : i32
            %add3A_585 = arith.addi %mul3A_583, %add3A_584 : i32
            %mul3A_586 = arith.constant 16 : i32
            %mul3A_587 = arith.muli %scan3A_289, %mul3A_586 : i32
            %swap3A_588 = arith.index_cast %add3A_585 : i32 to index
            %swap3A_589 = arith.index_cast %mul3A_587 : i32 to index
            %swap3A_590 = tpu.vector_load %arg8[%swap3A_588, %swap3A_589] {strides = array<i32>} : memref<700x128xf32, #tpu.memory_space<vmem>>, vector<16xf32>,
            tpu.vector_store %arg8[%swap3A_588, %swap3A_589], %gather3A_581 {strides = array<i32>} : memref<700x128xf32, #tpu.memory_space<vmem>>, vector<16xf32>,
            %add3A_591 = arith.constant 22 : i32
            %add3A_592 = vector.broadcast %add3A_591 : i32 to vector<16xi32>
            %add3A_593 = arith.addi %shift_left3A_305, %add3A_592 : vector<16xi32>
            %gather3A_594 = tpu.vector_load_idx %arg7[%add3A_293, %add3A_593] : memref<128x128xf32, #tpu.memory_space<vmem>>[vector<16xi32>, vector<16xi32>], vector<16xf32>,
            %mul3A_595 = arith.constant 35 : i32
            %mul3A_596 = arith.muli %add3A_172, %mul3A_595 : i32
            %add3A_597 = arith.constant 22 : i32
            %add3A_598 = arith.addi %mul3A_596, %add3A_597 : i32
            %mul3A_599 = arith.constant 16 : i32
            %mul3A_600 = arith.muli %scan3A_289, %mul3A_599 : i32
            %swap3A_601 = arith.index_cast %add3A_598 : i32 to index
            %swap3A_602 = arith.index_cast %mul3A_600 : i32 to index
            %swap3A_603 = tpu.vector_load %arg8[%swap3A_601, %swap3A_602] {strides = array<i32>} : memref<700x128xf32, #tpu.memory_space<vmem>>, vector<16xf32>,
            tpu.vector_store %arg8[%swap3A_601, %swap3A_602], %gather3A_594 {strides = array<i32>} : memref<700x128xf32, #tpu.memory_space<vmem>>, vector<16xf32>,
            %add3A_604 = arith.constant 23 : i32
            %add3A_605 = vector.broadcast %add3A_604 : i32 to vector<16xi32>
            %add3A_606 = arith.addi %shift_left3A_305, %add3A_605 : vector<16xi32>
            %gather3A_607 = tpu.vector_load_idx %arg7[%add3A_293, %add3A_606] : memref<128x128xf32, #tpu.memory_space<vmem>>[vector<16xi32>, vector<16xi32>], vector<16xf32>,
            %mul3A_608 = arith.constant 35 : i32
            %mul3A_609 = arith.muli %add3A_172, %mul3A_608 : i32
            %add3A_610 = arith.constant 23 : i32
            %add3A_611 = arith.addi %mul3A_609, %add3A_610 : i32
            %mul3A_612 = arith.constant 16 : i32
            %mul3A_613 = arith.muli %scan3A_289, %mul3A_612 : i32
            %swap3A_614 = arith.index_cast %add3A_611 : i32 to index
            %swap3A_615 = arith.index_cast %mul3A_613 : i32 to index
            %swap3A_616 = tpu.vector_load %arg8[%swap3A_614, %swap3A_615] {strides = array<i32>} : memref<700x128xf32, #tpu.memory_space<vmem>>, vector<16xf32>,
            tpu.vector_store %arg8[%swap3A_614, %swap3A_615], %gather3A_607 {strides = array<i32>} : memref<700x128xf32, #tpu.memory_space<vmem>>, vector<16xf32>,
            %add3A_617 = arith.constant 24 : i32
            %add3A_618 = vector.broadcast %add3A_617 : i32 to vector<16xi32>
            %add3A_619 = arith.addi %shift_left3A_305, %add3A_618 : vector<16xi32>
            %gather3A_620 = tpu.vector_load_idx %arg7[%add3A_293, %add3A_619] : memref<128x128xf32, #tpu.memory_space<vmem>>[vector<16xi32>, vector<16xi32>], vector<16xf32>,
            %mul3A_621 = arith.constant 35 : i32
            %mul3A_622 = arith.muli %add3A_172, %mul3A_621 : i32
            %add3A_623 = arith.constant 24 : i32
            %add3A_624 = arith.addi %mul3A_622, %add3A_623 : i32
            %mul3A_625 = arith.constant 16 : i32
            %mul3A_626 = arith.muli %scan3A_289, %mul3A_625 : i32
            %swap3A_627 = arith.index_cast %add3A_624 : i32 to index
            %swap3A_628 = arith.index_cast %mul3A_626 : i32 to index
            %swap3A_629 = tpu.vector_load %arg8[%swap3A_627, %swap3A_628] {strides = array<i32>} : memref<700x128xf32, #tpu.memory_space<vmem>>, vector<16xf32>,
            tpu.vector_store %arg8[%swap3A_627, %swap3A_628], %gather3A_620 {strides = array<i32>} : memref<700x128xf32, #tpu.memory_space<vmem>>, vector<16xf32>,
            %add3A_630 = arith.constant 25 : i32
            %add3A_631 = vector.broadcast %add3A_630 : i32 to vector<16xi32>
            %add3A_632 = arith.addi %shift_left3A_305, %add3A_631 : vector<16xi32>
            %gather3A_633 = tpu.vector_load_idx %arg7[%add3A_293, %add3A_632] : memref<128x128xf32, #tpu.memory_space<vmem>>[vector<16xi32>, vector<16xi32>], vector<16xf32>,
            %mul3A_634 = arith.constant 35 : i32
            %mul3A_635 = arith.muli %add3A_172, %mul3A_634 : i32
            %add3A_636 = arith.constant 25 : i32
            %add3A_637 = arith.addi %mul3A_635, %add3A_636 : i32
            %mul3A_638 = arith.constant 16 : i32
            %mul3A_639 = arith.muli %scan3A_289, %mul3A_638 : i32
            %swap3A_640 = arith.index_cast %add3A_637 : i32 to index
            %swap3A_641 = arith.index_cast %mul3A_639 : i32 to index
            %swap3A_642 = tpu.vector_load %arg8[%swap3A_640, %swap3A_641] {strides = array<i32>} : memref<700x128xf32, #tpu.memory_space<vmem>>, vector<16xf32>,
            tpu.vector_store %arg8[%swap3A_640, %swap3A_641], %gather3A_633 {strides = array<i32>} : memref<700x128xf32, #tpu.memory_space<vmem>>, vector<16xf32>,
            %add3A_643 = arith.constant 26 : i32
            %add3A_644 = vector.broadcast %add3A_643 : i32 to vector<16xi32>
            %add3A_645 = arith.addi %shift_left3A_305, %add3A_644 : vector<16xi32>
            %gather3A_646 = tpu.vector_load_idx %arg7[%add3A_293, %add3A_645] : memref<128x128xf32, #tpu.memory_space<vmem>>[vector<16xi32>, vector<16xi32>], vector<16xf32>,
            %mul3A_647 = arith.constant 35 : i32
            %mul3A_648 = arith.muli %add3A_172, %mul3A_647 : i32
            %add3A_649 = arith.constant 26 : i32
            %add3A_650 = arith.addi %mul3A_648, %add3A_649 : i32
            %mul3A_651 = arith.constant 16 : i32
            %mul3A_652 = arith.muli %scan3A_289, %mul3A_651 : i32
            %swap3A_653 = arith.index_cast %add3A_650 : i32 to index
            %swap3A_654 = arith.index_cast %mul3A_652 : i32 to index
            %swap3A_655 = tpu.vector_load %arg8[%swap3A_653, %swap3A_654] {strides = array<i32>} : memref<700x128xf32, #tpu.memory_space<vmem>>, vector<16xf32>,
            tpu.vector_store %arg8[%swap3A_653, %swap3A_654], %gather3A_646 {strides = array<i32>} : memref<700x128xf32, #tpu.memory_space<vmem>>, vector<16xf32>,
            %add3A_656 = arith.constant 27 : i32
            %add3A_657 = vector.broadcast %add3A_656 : i32 to vector<16xi32>
            %add3A_658 = arith.addi %shift_left3A_305, %add3A_657 : vector<16xi32>
            %gather3A_659 = tpu.vector_load_idx %arg7[%add3A_293, %add3A_658] : memref<128x128xf32, #tpu.memory_space<vmem>>[vector<16xi32>, vector<16xi32>], vector<16xf32>,
            %mul3A_660 = arith.constant 35 : i32
            %mul3A_661 = arith.muli %add3A_172, %mul3A_660 : i32
            %add3A_662 = arith.constant 27 : i32
            %add3A_663 = arith.addi %mul3A_661, %add3A_662 : i32
            %mul3A_664 = arith.constant 16 : i32
            %mul3A_665 = arith.muli %scan3A_289, %mul3A_664 : i32
            %swap3A_666 = arith.index_cast %add3A_663 : i32 to index
            %swap3A_667 = arith.index_cast %mul3A_665 : i32 to index
            %swap3A_668 = tpu.vector_load %arg8[%swap3A_666, %swap3A_667] {strides = array<i32>} : memref<700x128xf32, #tpu.memory_space<vmem>>, vector<16xf32>,
            tpu.vector_store %arg8[%swap3A_666, %swap3A_667], %gather3A_659 {strides = array<i32>} : memref<700x128xf32, #tpu.memory_space<vmem>>, vector<16xf32>,
            %add3A_669 = arith.constant 28 : i32
            %add3A_670 = vector.broadcast %add3A_669 : i32 to vector<16xi32>
            %add3A_671 = arith.addi %shift_left3A_305, %add3A_670 : vector<16xi32>
            %gather3A_672 = tpu.vector_load_idx %arg7[%add3A_293, %add3A_671] : memref<128x128xf32, #tpu.memory_space<vmem>>[vector<16xi32>, vector<16xi32>], vector<16xf32>,
            %mul3A_673 = arith.constant 35 : i32
            %mul3A_674 = arith.muli %add3A_172, %mul3A_673 : i32
            %add3A_675 = arith.constant 28 : i32
            %add3A_676 = arith.addi %mul3A_674, %add3A_675 : i32
            %mul3A_677 = arith.constant 16 : i32
            %mul3A_678 = arith.muli %scan3A_289, %mul3A_677 : i32
            %swap3A_679 = arith.index_cast %add3A_676 : i32 to index
            %swap3A_680 = arith.index_cast %mul3A_678 : i32 to index
            %swap3A_681 = tpu.vector_load %arg8[%swap3A_679, %swap3A_680] {strides = array<i32>} : memref<700x128xf32, #tpu.memory_space<vmem>>, vector<16xf32>,
            tpu.vector_store %arg8[%swap3A_679, %swap3A_680], %gather3A_672 {strides = array<i32>} : memref<700x128xf32, #tpu.memory_space<vmem>>, vector<16xf32>,
            %add3A_682 = arith.constant 29 : i32
            %add3A_683 = vector.broadcast %add3A_682 : i32 to vector<16xi32>
            %add3A_684 = arith.addi %shift_left3A_305, %add3A_683 : vector<16xi32>
            %gather3A_685 = tpu.vector_load_idx %arg7[%add3A_293, %add3A_684] : memref<128x128xf32, #tpu.memory_space<vmem>>[vector<16xi32>, vector<16xi32>], vector<16xf32>,
            %mul3A_686 = arith.constant 35 : i32
            %mul3A_687 = arith.muli %add3A_172, %mul3A_686 : i32
            %add3A_688 = arith.constant 29 : i32
            %add3A_689 = arith.addi %mul3A_687, %add3A_688 : i32
            %mul3A_690 = arith.constant 16 : i32
            %mul3A_691 = arith.muli %scan3A_289, %mul3A_690 : i32
            %swap3A_692 = arith.index_cast %add3A_689 : i32 to index
            %swap3A_693 = arith.index_cast %mul3A_691 : i32 to index
            %swap3A_694 = tpu.vector_load %arg8[%swap3A_692, %swap3A_693] {strides = array<i32>} : memref<700x128xf32, #tpu.memory_space<vmem>>, vector<16xf32>,
            tpu.vector_store %arg8[%swap3A_692, %swap3A_693], %gather3A_685 {strides = array<i32>} : memref<700x128xf32, #tpu.memory_space<vmem>>, vector<16xf32>,
            %add3A_695 = arith.constant 30 : i32
            %add3A_696 = vector.broadcast %add3A_695 : i32 to vector<16xi32>
            %add3A_697 = arith.addi %shift_left3A_305, %add3A_696 : vector<16xi32>
            %gather3A_698 = tpu.vector_load_idx %arg7[%add3A_293, %add3A_697] : memref<128x128xf32, #tpu.memory_space<vmem>>[vector<16xi32>, vector<16xi32>], vector<16xf32>,
            %mul3A_699 = arith.constant 35 : i32
            %mul3A_700 = arith.muli %add3A_172, %mul3A_699 : i32
            %add3A_701 = arith.constant 30 : i32
            %add3A_702 = arith.addi %mul3A_700, %add3A_701 : i32
            %mul3A_703 = arith.constant 16 : i32
            %mul3A_704 = arith.muli %scan3A_289, %mul3A_703 : i32
            %swap3A_705 = arith.index_cast %add3A_702 : i32 to index
            %swap3A_706 = arith.index_cast %mul3A_704 : i32 to index
            %swap3A_707 = tpu.vector_load %arg8[%swap3A_705, %swap3A_706] {strides = array<i32>} : memref<700x128xf32, #tpu.memory_space<vmem>>, vector<16xf32>,
            tpu.vector_store %arg8[%swap3A_705, %swap3A_706], %gather3A_698 {strides = array<i32>} : memref<700x128xf32, #tpu.memory_space<vmem>>, vector<16xf32>,
            %add3A_708 = arith.constant 31 : i32
            %add3A_709 = vector.broadcast %add3A_708 : i32 to vector<16xi32>
            %add3A_710 = arith.addi %shift_left3A_305, %add3A_709 : vector<16xi32>
            %gather3A_711 = tpu.vector_load_idx %arg7[%add3A_293, %add3A_710] : memref<128x128xf32, #tpu.memory_space<vmem>>[vector<16xi32>, vector<16xi32>], vector<16xf32>,
            %mul3A_712 = arith.constant 35 : i32
            %mul3A_713 = arith.muli %add3A_172, %mul3A_712 : i32
            %add3A_714 = arith.constant 31 : i32
            %add3A_715 = arith.addi %mul3A_713, %add3A_714 : i32
            %mul3A_716 = arith.constant 16 : i32
            %mul3A_717 = arith.muli %scan3A_289, %mul3A_716 : i32
            %swap3A_718 = arith.index_cast %add3A_715 : i32 to index
            %swap3A_719 = arith.index_cast %mul3A_717 : i32 to index
            %swap3A_720 = tpu.vector_load %arg8[%swap3A_718, %swap3A_719] {strides = array<i32>} : memref<700x128xf32, #tpu.memory_space<vmem>>, vector<16xf32>,
            tpu.vector_store %arg8[%swap3A_718, %swap3A_719], %gather3A_711 {strides = array<i32>} : memref<700x128xf32, #tpu.memory_space<vmem>>, vector<16xf32>,
            %mul3A_721 = arith.constant 16 : i32
            %mul3A_722 = arith.muli %scan3A_289, %mul3A_721 : i32
            %get3A_723 = arith.constant 5 : i32
            %get3A_724 = arith.index_cast %get3A_723 : i32 to index
            %get3A_725 = arith.index_cast %mul3A_722 : i32 to index
            %get3A_726 = tpu.vector_load %arg5[%get3A_724, %get3A_725] {strides = array<i32>} : memref<8x128xf32, #tpu.memory_space<vmem>>, vector<16xf32>,
            %mul3A_727 = arith.constant 35 : i32
            %mul3A_728 = arith.muli %add3A_172, %mul3A_727 : i32
            %add3A_729 = arith.constant 32 : i32
            %add3A_730 = arith.addi %mul3A_728, %add3A_729 : i32
            %add3A_731 = arith.constant 1 : i32
            %add3A_732 = arith.addi %add3A_730, %add3A_731 : i32
            %sub3A_733 = arith.constant 1 : i32
            %sub3A_734 = arith.subi %add3A_732, %sub3A_733 : i32
            %mul3A_735 = arith.constant 16 : i32
            %mul3A_736 = arith.muli %scan3A_289, %mul3A_735 : i32
            %swap3A_737 = arith.index_cast %sub3A_734 : i32 to index
            %swap3A_738 = arith.index_cast %mul3A_736 : i32 to index
            %swap3A_739 = tpu.vector_load %arg8[%swap3A_737, %swap3A_738] {strides = array<i32>} : memref<700x128xf32, #tpu.memory_space<vmem>>, vector<16xf32>,
            tpu.vector_store %arg8[%swap3A_737, %swap3A_738], %get3A_726 {strides = array<i32>} : memref<700x128xf32, #tpu.memory_space<vmem>>, vector<16xf32>,
            %mul3A_740 = arith.constant 16 : i32
            %mul3A_741 = arith.muli %scan3A_289, %mul3A_740 : i32
            %get3A_742 = arith.constant 6 : i32
            %get3A_743 = arith.index_cast %get3A_742 : i32 to index
            %get3A_744 = arith.index_cast %mul3A_741 : i32 to index
            %get3A_745 = tpu.vector_load %arg5[%get3A_743, %get3A_744] {strides = array<i32>} : memref<8x128xf32, #tpu.memory_space<vmem>>, vector<16xf32>,
            %mul3A_746 = arith.constant 35 : i32
            %mul3A_747 = arith.muli %add3A_172, %mul3A_746 : i32
            %add3A_748 = arith.constant 32 : i32
            %add3A_749 = arith.addi %mul3A_747, %add3A_748 : i32
            %add3A_750 = arith.constant 2 : i32
            %add3A_751 = arith.addi %add3A_749, %add3A_750 : i32
            %sub3A_752 = arith.constant 1 : i32
            %sub3A_753 = arith.subi %add3A_751, %sub3A_752 : i32
            %mul3A_754 = arith.constant 16 : i32
            %mul3A_755 = arith.muli %scan3A_289, %mul3A_754 : i32
            %swap3A_756 = arith.index_cast %sub3A_753 : i32 to index
            %swap3A_757 = arith.index_cast %mul3A_755 : i32 to index
            %swap3A_758 = tpu.vector_load %arg8[%swap3A_756, %swap3A_757] {strides = array<i32>} : memref<700x128xf32, #tpu.memory_space<vmem>>, vector<16xf32>,
            tpu.vector_store %arg8[%swap3A_756, %swap3A_757], %get3A_745 {strides = array<i32>} : memref<700x128xf32, #tpu.memory_space<vmem>>, vector<16xf32>,
            %mul3A_759 = arith.constant 16 : i32
            %mul3A_760 = arith.muli %scan3A_289, %mul3A_759 : i32
            %get3A_761 = arith.constant 7 : i32
            %get3A_762 = arith.index_cast %get3A_761 : i32 to index
            %get3A_763 = arith.index_cast %mul3A_760 : i32 to index
            %get3A_764 = tpu.vector_load %arg5[%get3A_762, %get3A_763] {strides = array<i32>} : memref<8x128xf32, #tpu.memory_space<vmem>>, vector<16xf32>,
            %mul3A_765 = arith.constant 35 : i32
            %mul3A_766 = arith.muli %add3A_172, %mul3A_765 : i32
            %add3A_767 = arith.constant 32 : i32
            %add3A_768 = arith.addi %mul3A_766, %add3A_767 : i32
            %add3A_769 = arith.constant 3 : i32
            %add3A_770 = arith.addi %add3A_768, %add3A_769 : i32
            %sub3A_771 = arith.constant 1 : i32
            %sub3A_772 = arith.subi %add3A_770, %sub3A_771 : i32
            %mul3A_773 = arith.constant 16 : i32
            %mul3A_774 = arith.muli %scan3A_289, %mul3A_773 : i32
            %swap3A_775 = arith.index_cast %sub3A_772 : i32 to index
            %swap3A_776 = arith.index_cast %mul3A_774 : i32 to index
            %swap3A_777 = tpu.vector_load %arg8[%swap3A_775, %swap3A_776] {strides = array<i32>} : memref<700x128xf32, #tpu.memory_space<vmem>>, vector<16xf32>,
            tpu.vector_store %arg8[%swap3A_775, %swap3A_776], %get3A_764 {strides = array<i32>} : memref<700x128xf32, #tpu.memory_space<vmem>>, vector<16xf32>,
          }
          %scan3A_288 = arith.constant 8 : i32
        }
        %scan3A_50 = arith.constant 10 : i32
        "tpu.region"() ({
          %run_scoped3A = tpu.sem_alloc : memref<!tpu.dma_semaphore, #tpu.memory_space<semaphore_mem>>
          %dma_start3A = arith.constant 0 : i32
          %dma_start3A_51 = tpu.memref_slice %arg4[%select_n3A, %dma_start3A, %mul3A_44] : memref<50x700x1024xf32, #tpu.memory_space<hbm>> -> memref<1x700x128xf32, #tpu.memory_space<hbm>>
          %dma_start3A_52 = tpu.memref_squeeze %dma_start3A_51 : memref<1x700x128xf32, #tpu.memory_space<hbm>> -> memref<700x128xf32, #tpu.memory_space<hbm>>
          %dma_start3A_53 = arith.constant 0 : i32
          %dma_start3A_54 = tpu.memref_slice %arg4[%select_n3A, %dma_start3A_53, %mul3A_44] : memref<50x700x1024xf32, #tpu.memory_space<hbm>> -> memref<1x700x128xf32, #tpu.memory_space<hbm>>
          %dma_start3A_55 = tpu.memref_squeeze %dma_start3A_54 : memref<1x700x128xf32, #tpu.memory_space<hbm>> -> memref<700x128xf32, #tpu.memory_space<hbm>>
          tpu.enqueue_dma source(%arg8 : memref<700x128xf32, #tpu.memory_space<vmem>>) target(%dma_start3A_55 : memref<700x128xf32, #tpu.memory_space<hbm>>) target_semaphore(%run_scoped3A : memref<!tpu.dma_semaphore, #tpu.memory_space<semaphore_mem>>)
          %dma_wait3A = arith.constant 0 : i32
          %dma_wait3A_56 = tpu.memref_slice %arg4[%select_n3A, %dma_wait3A, %mul3A_44] : memref<50x700x1024xf32, #tpu.memory_space<hbm>> -> memref<1x700x128xf32, #tpu.memory_space<hbm>>
          %dma_wait3A_57 = tpu.memref_squeeze %dma_wait3A_56 : memref<1x700x128xf32, #tpu.memory_space<hbm>> -> memref<700x128xf32, #tpu.memory_space<hbm>>
          %dma_wait3A_58 = arith.constant 0 : i32
          %dma_wait3A_59 = tpu.memref_slice %arg4[%select_n3A, %dma_wait3A_58, %mul3A_44] : memref<50x700x1024xf32, #tpu.memory_space<hbm>> -> memref<1x700x128xf32, #tpu.memory_space<hbm>>
          %dma_wait3A_60 = tpu.memref_squeeze %dma_wait3A_59 : memref<1x700x128xf32, #tpu.memory_space<hbm>> -> memref<700x128xf32, #tpu.memory_space<hbm>>
          tpu.wait_dma2 semaphore(%run_scoped3A : memref<!tpu.dma_semaphore, #tpu.memory_space<semaphore_mem>>) src(%arg8 : memref<700x128xf32, #tpu.memory_space<vmem>>) dst(%dma_wait3A_60 : memref<700x128xf32, #tpu.memory_space<hbm>>)
          tpu.yield
        }) : () -> ()
      } else {
      }
    }
    %scan3A_5 = arith.constant 13 : i32
    return
  }
}

</mosaic_0001>

<sc_bundles>
// kernel: kernel.3.cloned.1.call-start
scs
__scs_entry_jumppad:
0x0: {  	(pc) =	sbr.rel $0x88, $3  }
0x1: {  	(tag) =	ssettag $0x0;
	lr =	simm.s32 $0x1  }
0x2: {  	[smem:$0x3F9F] =	sst lr;
	_ =	strace $0xD0000000  }
0x3: {  	_ = 	snop  }
0x4: {  	_ = 	snop  }
0x5: {  	_ = 	snop  }
0x6: {  	_ = 	snop  }
0x7: {  	_ = 	snop  }
__scs_overlays_trampoline_lowered:
0x8: {  	[smem:$0x3FAE] =	sst s0  }
0x9: {  	[smem:$0x3FAF] =	sst s1  }
0xa: {  	[smem:$0x3FB0] =	sst s2  }
0xb: {  	[smem:$0x3FB1] =	sst s3  }
0xc: {  	[smem:$0x3FB2] =	sst s4  }
0xd: {  	[smem:$0x3FB3] =	sst s5  }
0xe: {  	[smem:$0x3FB4] =	sst s6  }
0xf: {  	[smem:$0x3FB5] =	sst s7  }
0x10: {  	[smem:$0x3FB6] =	sst s8  }
0x11: {  	[smem:$0x3FB7] =	sst s9;
	s0 =	simm.s32 @!p0 $0x0  }
0x12: {  	s1 =	sld [smem:$0x3F9D];
	s0 =	simm.s32 @p0 $0x1  }
0x13: {  	[smem:$0x3FB8] =	sst s0;
	s0 =	simm.s32 @!p1 $0x0  }
0x14: {  	s2 =	sld [smem:$0x3F9C];
	s0 =	simm.s32 @p1 $0x1  }
0x15: {  	[smem:$0x3FB9] =	sst s0;
	s0 =	simm.s32 @!p2 $0x0  }
0x16: {  	s3 =	sld [smem:$0x3FDB];
	s0 =	simm.s32 @p2 $0x1  }
0x17: {  	s4 =	simm.s32 $0x1BF5;
	[smem:$0x3FBB] =	sst s0  }
0x18: {  	s0 =	sld [smem:$0x3F9E];
	_ =	swait.ge [sflag:s4], $0x0  }
0x19: {  	s7 =	sld [smem:$0x3F9F]  }
0x1a: {  	s8 =	sadd.s32 $0xFFFFE003, lr  }
0x1b: {  	s9 =	sadd.s32 $0xFFFFFEF7, lr;
	s5 =	simm.s32 $0xFFFFFFFF;
	p2 =	slt.u32 s8, $0xFFFFF086  }
0x1c: {  	p1 =	slt.u32 s9, $0xF7A;
	s5 =	simm.s32 @!p2 $0x0  }
0x1d: {  	s5 =	simm.s32 @p1 $0x1;
	p0 =	seq.s32 s7, s2  }
0x1e: {  	s7 =	smul.u32 @!p0 $0xF7A, s2;
	p2 =	seq.s32 @!p0 s5, $0x0  }
0x1f: {  	s9 =	smul.u32 $0xF7A, s1;
	s8 =	simm.s32 @!p0 $0x1BF5;
	p2 =	por !p2, p0  }
0x20: {  	[sflag:s8] =	ssyncset.s32 @!p0 $0xFFFFF086;
	s6 =	sadd.s32 @!p0 s3, s7;
	s7 =	simm.s32 @!p0 $0x108  }
0x21: {  	s3 =	sadd.s32 s3, s9;
	s6 =	sadd.s32 @!p0 $0x88, s6;
	s7 =	simm.s32 @p2 $0x1082  }
0x22: {  	[simem:s7], [sflag:s8] =	dma.local @!p0 [hbm:s6], $0xF7A  }
0x23: {  	s9 =	sor.u32 $0xD0000000, s2;
	s6 =	simm.s32 $0x108;
	_ =	swait.ge @!p0 [sflag:s8], $0x0  }
0x24: {  	s3 =	sadd.s32 $0x88, s3;
	s6 =	simm.s32 @!p1 $0x1082;
	[sflag:s4] =	ssyncset.s32 $0xFFFFF086  }
0x25: {  	[simem:s6], [sflag:s4] =	dma.local [hbm:s3], $0xF7A  }
0x26: {  	[smem:$0x3F9F] =	sst s1;
	(tag) =	ssettag s2;
	_ =	strace s9  }
0x27: {  	s1 =	sld [smem:$0x3FAF]  }
0x28: {  	s2 =	sld [smem:$0x3FB0]  }
0x29: {  	s4 =	sld [smem:$0x3FB2]  }
0x2a: {  	p0 =	seq.s32 s5, $0x0;
	s5 =	sld [smem:$0x3FB3]  }
0x2b: {  	s6 =	sld [smem:$0x3FB4]  }
0x2c: {  	s7 =	sld [smem:$0x3FB5]  }
0x2d: {  	s3 =	simm.s32 $0x108;
	s8 =	sld [smem:$0x3FB6]  }
0x2e: {  	s3 =	simm.s32 @!p0 $0x1082;
	s9 =	sld [smem:$0x3FB7]  }
0x2f: {  	lr =	sadd.s32 s0, s3;
	s0 =	sld [smem:$0x3FAE]  }
0x30: {  	s3 =	sld [smem:$0x3FB1]  }
0x31: {  	[smem:$0x3FBA] =	sst s10  }
0x32: {  	s10 =	sld [smem:$0x3FB8];
	_ =	sdelay $0x3  }
0x33: {  	p0 =	seq.s32 s10, $0x1;
	s10 =	sld [smem:$0x3FBA];
	_ =	sdelay $0x3  }
0x34: {  	[smem:$0x3FBA] =	sst s10  }
0x35: {  	s10 =	sld [smem:$0x3FB9];
	_ =	sdelay $0x3  }
0x36: {  	p1 =	seq.s32 s10, $0x1;
	s10 =	sld [smem:$0x3FBA];
	_ =	sdelay $0x3  }
0x37: {  	[smem:$0x3FBA] =	sst s10  }
0x38: {  	s10 =	sld [smem:$0x3FBB]  }
0x39: {  	_ = 	snop;
	(pc) =	sbr.ind lr, $3  }
0x3a: {  	_ = 	snop  }
0x3b: {  	_ = 	snop  }
0x3c: {  	p2 =	seq.s32 s10, $0x1;
	s10 =	sld [smem:$0x3FBA]  }
0x3d: {  	_ =	shalt  }
0x3e: {  	_ =	shalt  }
0x3f: {  	_ =	shalt  }
0x40: {  	_ =	shalt  }
0x41: {  	_ =	shalt  }
0x42: {  	_ =	shalt  }
0x43: {  	_ =	shalt  }
0x44: {  	_ =	shalt  }
0x45: {  	_ =	shalt  }
0x46: {  	_ =	shalt  }
0x47: {  	_ =	shalt  }
0x48: {  	_ =	shalt  }
0x49: {  	_ =	shalt  }
0x4a: {  	_ =	shalt  }
0x4b: {  	_ =	shalt  }
0x4c: {  	_ =	shalt  }
0x4d: {  	_ =	shalt  }
0x4e: {  	_ =	shalt  }
0x4f: {  	_ =	shalt  }
0x50: {  	_ =	shalt  }
0x51: {  	_ =	shalt  }
0x52: {  	_ =	shalt  }
0x53: {  	_ =	shalt  }
0x54: {  	_ =	shalt  }
0x55: {  	_ =	shalt  }
0x56: {  	_ =	shalt  }
0x57: {  	_ =	shalt  }
0x58: {  	_ =	shalt  }
0x59: {  	_ =	shalt  }
0x5a: {  	_ =	shalt  }
0x5b: {  	_ =	shalt  }
0x5c: {  	_ =	shalt  }
0x5d: {  	_ =	shalt  }
0x5e: {  	_ =	shalt  }
0x5f: {  	_ =	shalt  }
0x60: {  	_ =	shalt  }
0x61: {  	_ =	shalt  }
0x62: {  	_ =	shalt  }
0x63: {  	_ =	shalt  }
0x64: {  	_ =	shalt  }
0x65: {  	_ =	shalt  }
0x66: {  	_ =	shalt  }
0x67: {  	_ =	shalt  }
0x68: {  	_ =	shalt  }
0x69: {  	_ =	shalt  }
0x6a: {  	_ =	shalt  }
0x6b: {  	_ =	shalt  }
0x6c: {  	_ =	shalt  }
0x6d: {  	_ =	shalt  }
0x6e: {  	_ =	shalt  }
0x6f: {  	_ =	shalt  }
0x70: {  	_ =	shalt  }
0x71: {  	_ =	shalt  }
0x72: {  	_ =	shalt  }
0x73: {  	_ =	shalt  }
0x74: {  	_ =	shalt  }
0x75: {  	_ =	shalt  }
0x76: {  	_ =	shalt  }
0x77: {  	_ =	shalt  }
0x78: {  	_ =	shalt  }
0x79: {  	_ =	shalt  }
0x7a: {  	_ =	shalt  }
0x7b: {  	_ =	shalt  }
0x7c: {  	_ =	shalt  }
0x7d: {  	_ =	shalt  }
0x7e: {  	_ =	shalt  }
0x7f: {  	_ =	shalt  }
0x80: {  	_ =	shalt  }
0x81: {  	_ =	shalt  }
0x82: {  	_ =	shalt  }
0x83: {  	_ =	shalt  }
0x84: {  	_ =	shalt  }
0x85: {  	_ =	shalt  }
0x86: {  	_ =	shalt  }
0x87: {  	_ =	shalt  }
.Lfunc_end0:
.L_simem_size_0:
called_computation_lowered:
.L_overlay_start_0:
0x88: {  	s2 =	sld [smem:$0x3FD9]  }
0x89: {  	s3 =	sld [smem:$0x3FFE];
	_ =	sdelay $0x1  }
0x8a: {  	s1 =	srdreg.scid  }
0x8b: {  	s0 =	sand.u32 $0x1, s1  }
0x8c: {  	s17 =	sshll.u32 s0, $0xA;
	s2 =	sadd.s32 s3, s2  }
0x8d: {  	s2 =	sadd.s32 s2, s17  }
0x8e: {  	[smem:$0x3FC6] =	sst s2  }
0x8f: {  	_ = 	snop  }
0x90: {  	s2 =	sld [smem:$0x3FC9]  }
0x91: {  	s18 =	sld [smem:$0x3FD0];
	(tm) =	ssettm $0x1  }
0x92: {  	s4 =	sld [smem:$0x3FFB];
	_ =	sdelay $0x3  }
0x93: {  	_ =	strace s4  }
0x94: {  	s4 =	sld [smem:$0x3FFC];
	_ =	sdelay $0x3  }
0x95: {  	_ =	strace s4  }
0x96: {  	s4 =	sld [smem:$0x3FFD];
	_ =	sdelay $0x3  }
0x97: {  	_ =	strace s4  }
0x98: {  	_ =	strace $0x8FFFFFFF  }
0x99: {  	s19 =	sld [smem:$0x3FDB];
	_ =	sdelay $0x1  }
0x9a: {  	s5 =	simm.s32 $_scs_section_size  }
0x9b: {  	s6 =	simm.s32 $_size__tile_overlayer_lowered;
	s7 =	simm.s32 $_tile_overlayer_lowered  }
0x9c: {  	s22 =	simm.s32 $0x1BFF;
	s21 =	sshll.u32 s7, $0x1;
	s4 =	sadd.s32 s5, s19  }
0x9d: {  	s8 =	simm.s32 $0x0;
	s20 =	sshll.u32 s6, $0x1;
	s6 =	sadd.s32 s21, s4  }
0x9e: {  	[timem:s8], [sflag:s22] =	dma.local [hbm:s6], s20  }
0x9f: {  	_ =	swait.ge [sflag:s22], s20  }
0xa0: {  	s5 =	ssub.s32 $0x0, s20;
	[sflag:s22] =	ssyncset.done $0x0  }
0xa1: {  	[sflag:s22] =	ssyncadd.s32 s5;
	_ =	sdelay $0x1  }
0xa2: {  	s23 =	simm.s32 $0x1B8B  }
0xa3: {  	_ =	swait.ge [sflag:s23], $0x1  }
0xa4: {  	[sflag:s23] =	ssyncset.done $0x0  }
0xa5: {  	s25 =	simm.s32 $0x1B8E;
	s24 =	sld [smem:$0x3FFE];
	[sflag:s23] =	ssyncadd.s32 $0xFFFFFFFF  }
0xa6: {  	s26 =	simm.s32 $execute0_lowered;
	[smem:$0x3FD2] =	sst s25  }
0xa7: {  	s6 =	sshll.u32 s26, $0x1;
	_ =	strace $0x80000046;
	[dreg:$0x1] =	wrdreg $0xFFFFFFFF  }
0xa8: {  	s28 =	simm.s32 $_size_execute0_lowered;
	s4 =	sadd.s32 s4, s6;
	[dreg:$0x0] =	wrdreg $0x0  }
0xa9: {  	s6 =	sshll.u32 s28, $0x1;
	[dreg:$0x2] =	wrdreg s4  }
0xaa: {  	[dreg:$0x3] =	wrdreg s6  }
0xab: {  	[dreg:$0x4] =	wrdreg $0xC0  }
0xac: {  	_ =	task [dreg:s8], $0x5FFFF  }
0xad: {  	[dreg:$0x1] =	wrdreg $0xFFFFFFFF  }
0xae: {  	[dreg:$0x0] =	wrdreg $0x60  }
0xaf: {  	[dreg:$0x2] =	wrdreg s2  }
0xb0: {  	[dreg:$0x3] =	wrdreg s24  }
0xb1: {  	[dreg:$0x4] =	wrdreg s18  }
0xb2: {  	[dreg:$0x5] =	wrdreg $0x9  }
0xb3: {  	_ =	task.clear_ibuf [dreg:s8], $0x6FFFF;
	_ =	strace $0x90000046  }
0xb4: {  	s29 =	simm.s32 $0x9;
	_ =	strace $0x80000048  }
0xb5: {  	_ =	swait.ge [sflag:s29], $0x1  }
0xb6: {  	[sflag:s29] =	ssyncadd.s32 $0xFFFFFFFF  }
0xb7: {  	_ =	strace $0x90000048  }
0xb8: {  	_ =	sfence  }
0xb9: {  	s30 =	sld [smem:$0x0];
	_ =	sdelay $0x2  }
0xba: {  	s31 =	sshll.u32 s1, $0xD;
	s1 =	sshrl.u32 s1, $0x2  }
0xbb: {  	s3 =	sand.u32 $0x4000, s31;
	s1 =	sadd.s32 s1, s30  }
0xbc: {  	s0 =	sor.u32 s3, s0;
	s1 =	sshll.u32 s1, $0x11  }
0xbd: {  	s0 =	sor.u32 s1, s0  }
0xbe: {  	s0 =	sadd.s32 $0x8F2B, s0  }
0xbf: {  	[sflag:s0] =	ssyncadd.remote.s32 $0x1  }
0xc0: {  	_ =	sfence.sel $0xFFFF  }
0xc1: {  	[dreg:$0x0] =	wrdreg $0xFFFFFFFF;
	(pc) =	sbr.abs _section_cstart, $3  }
0xc2: {  	[dreg:$0x1] =	wrdreg $0xFFFFFFFF  }
0xc3: {  	_ =	task.clear_ibuf [dreg:s8], $0x2FFFF;
	_ =	strace $0x9FFFFFFF  }
0xc4: {  	(tm) =	ssettm $0x7FFFFFFF  }
0xc5: {  	_ =	shalt  }
tec
execute0_lowered:
.L_overlay_start_1:
0x0: {  	(tag) =	ssettag $0x1  }
0x1: {  	s5 =	rddreg [dreg:$0x0]  }
0x2: {  	s4 =	rddreg [dreg:$0x1];
	s1 =	srdreg.scid  }
0x3: {  	s0 =	stileid.u32;
	s6 =	rddreg [dreg:$0x2];
	s3 =	simm.s32 $0x0  }
0x4: {  	s10 =	simm.s32 $0x400;
	s11 =	simm.s32 $0x480;
	s12 =	simm.s32 $0x1  }
0x5: {  	s13 =	simm.s32 $0x2000;
	s14 =	simm.s32 $0x4480;
	s15 =	simm.s32 $0x1A080  }
0x6: {  	s16 =	simm.s32 $0x2;
	s17 =	simm.s32 $0x0;
	s21 =	simm.s32 $0x0  }
0x7: {  	s7 =	sand.u32 $0x1, s1;
	s2 =	sshll.u32 s0, $0x1;
	s1 =	rddreg [dreg:$0x3]  }
.Ltmp0:
0x8: {  	[smem:$0x7FF] =	sst s3;
	s8 =	sor.u32 s7, s2;
	(pc) =	sbr.rel .LBB2_1-.Ltmp0, $4  }
0x9: {  	s4 =	sadd.s32 $0xF42800, s4;
	s7 =	ssub.s32 $0x2, s7;
	s8 =	sshll.u32 s8, $0x7  }
0xa: {  	_ =	strace $0x80000047;
	s9 =	sshrl.u32 s7, $0x1;
	s8 =	sand.u32 $0x380, s8  }
0xb: {  	v0 =	vlaneseq.u32;
	s7 =	ssub.s32 s7, s9;
	s9 =	simm.s32 $0x80;
	s5 =	sadd.s32 s5, s8  }
0xc: {  	v0 =	vmul.u32 $0x80, v0;
	s6 =	sadd.s32 s6, s8;
	s7 =	smax.u32 s7, $0x1;
	s8 =	simm.s32 $0x3  }
.LBB2_11:
0xd: {  	s17 =	sadd.s32 $0x1, s17  }
0xe: {  	p0 =	sne.s32 s17, s7  }
.Ltmp1:
0xf: {  	_ = 	snop;
	(pc) =	sbr.rel @!p0 .LBB2_12-.Ltmp1, $1  }
0x10: {  	_ =	sdelay $0x3  }
.LBB2_1:
.Ltmp2:
0x11: {  	(pc) =	sbr.rel .LBB2_2-.Ltmp2, $2  }
0x12: {  	_ =	sdelay $0x2  }
0x13: {  	s18 =	simm.s32 $0x0  }
.LBB2_10:
0x14: {  	s18 =	sadd.s32 $0x1, s18  }
0x15: {  	p0 =	sne.s32 s18, $0xD  }
.Ltmp3:
0x16: {  	_ = 	snop;
	(pc) =	sbr.rel @!p0 .LBB2_11-.Ltmp3, $1  }
0x17: {  	_ =	sdelay $0x3  }
.LBB2_2:
0x18: {  	s19 =	sshll.u32 s18, $0x5  }
0x19: {  	s19 =	sor.u32 s2, s19  }
0x1a: {  	p0 =	sgt.u32 s19, $0x18F  }
.Ltmp4:
0x1b: {  	_ = 	snop;
	(pc) =	sbr.rel @p0 .LBB2_10-.Ltmp4, $1  }
0x1c: {  	_ =	sdelay $0x3  }
0x1d: {  	s19 =	sshrl.u32 s19, $0x3;
	s22 =	simm.s32 $0x4D00  }
0x1e: {  	s23 =	simm.s32 $0x6700;
	s24 =	simm.s32 $0x0;
	s20 =	smul.u32 $0x14000, s19  }
.LBB2_4:
0x1f: {  	s25 =	sshll.u32 s24, $0xD  }
0x20: {  	s25 =	sadd.s32 s20, s25  }
0x21: {  	s25 =	sshrl.u32 s25, $0x3  }
0x22: {  	s25 =	sadd.s32 s25, s5  }
0x23: {  	[tilespmem:s21], [sflag:$0x3] =	stream.linear.gather [hbm4b:s25+s21], $0x400, $0x38;
	[tilespmem:$0x1A480] =	vst v63  }
0x24: {  	_ =	swait.ge [sflag:s8], $0x400  }
0x25: {  	[sflag:s8] =	ssyncset.done $0x0  }
0x26: {  	[sflag:s8] =	ssyncadd.s32 $0xFFFFFC00  }
0x27: {  	v1 =	vld [tilespmem:$0x0]  }
0x28: {  	v2 =	vld [tilespmem:$0x10]  }
0x29: {  	v3 =	vld [tilespmem:$0x20]  }
0x2a: {  	v4 =	vld [tilespmem:$0x30]  }
0x2b: {  	v5 =	vld [tilespmem:$0x40]  }
0x2c: {  	v6 =	vld [tilespmem:$0x50];
	v1 =	vtrunc.f32 v1  }
0x2d: {  	v7 =	vld [tilespmem:$0x60];
	v2 =	vtrunc.f32 v2;
	v1 =	vcvt.f32.s32 v1  }
0x2e: {  	v8 =	vld [tilespmem:$0x70];
	v3 =	vtrunc.f32 v3;
	v2 =	vcvt.f32.s32 v2  }
0x2f: {  	v4 =	vtrunc.f32 v4;
	v3 =	vcvt.f32.s32 v3;
	v1 =	vshrl.u32 v1, $0x2  }
0x30: {  	v60 =	vtrunc.f32 v5;
	[tilespmem:$0x400] =	vst v1;
	v1 =	vshrl.u32 v2, $0x2;
	v2 =	vcvt.f32.s32 v4  }
0x31: {  	v61 =	vtrunc.f32 v6;
	[tilespmem:$0x410] =	vst v1;
	v1 =	vshrl.u32 v3, $0x2;
	v3 =	vcvt.f32.s32 v60  }
0x32: {  	v62 =	vtrunc.f32 v7;
	[tilespmem:$0x420] =	vst v1;
	v1 =	vshrl.u32 v2, $0x2;
	v2 =	vcvt.f32.s32 v61  }
0x33: {  	v63 =	vtrunc.f32 v8;
	[tilespmem:$0x430] =	vst v1;
	v1 =	vshrl.u32 v3, $0x2;
	v3 =	vcvt.f32.s32 v62  }
0x34: {  	[tilespmem:$0x440] =	vst v1;
	v1 =	vshrl.u32 v2, $0x2;
	v2 =	vcvt.f32.s32 v63  }
0x35: {  	[tilespmem:$0x450] =	vst v1;
	v1 =	vshrl.u32 v3, $0x2  }
0x36: {  	[tilespmem:$0x460] =	vst v1;
	v1 =	vshrl.u32 v2, $0x2  }
0x37: {  	[tilespmem:$0x470] =	vst v1  }
0x38: {  	[tilespmem:s11], [sflag:$0x1] =	stream.indirect.gather [hbm4b:s4+s9], $0x80, s10, s9, $0xb8;
	[tilespmem:$0x1A480] =	vst v63  }
0x39: {  	_ =	swait.ge [sflag:s12], $0x4000  }
0x3a: {  	[sflag:s12] =	ssyncset.done $0x0  }
0x3b: {  	s25 =	simm.s32 $0x100;
	[sflag:s12] =	ssyncadd.s32 $0xFFFFC000  }
0x3c: {  	v1 =	vld [tilespmem:s25+$0xFFFFFF00];
	_ =	sdelay $0x4  }
0x3d: {  	v1 =	vtrunc.f32 v1  }
0x3e: {  	v1 =	vcvt.f32.s32 v1  }
0x3f: {  	v2 =	vmov s21  }
0x40: {  	v2 =	vshll.u32 v2, $0x7;
	v1 =	vshll.u32 v1, $0x5  }
0x41: {  	v2 =	vor.u32 v0, v2;
	v1 =	vand.u32 $0x60, v1  }
0x42: {  	v1 =	vor.u32 v2, v1;
	_ =	sdelay $0x4  }
0x43: {  	v2 =	vld.idx.msk [tilespmem:v1+s11+$0x0], $0xffff  }
0x44: {  	v3 =	vor.u32 $0x1, v1;
	_ =	sdelay $0x3  }
0x45: {  	[tilespmem:s22+$0xFFFFF780] =	vst v2  }
0x46: {  	v2 =	vld.idx.msk [tilespmem:v3+s11+$0x0], $0xffff  }
0x47: {  	v3 =	vor.u32 $0x2, v1;
	_ =	sdelay $0x3  }
0x48: {  	[tilespmem:s22+$0xFFFFF800] =	vst v2  }
0x49: {  	v2 =	vld.idx.msk [tilespmem:v3+s11+$0x0], $0xffff  }
0x4a: {  	v3 =	vor.u32 $0x3, v1;
	_ =	sdelay $0x3  }
0x4b: {  	[tilespmem:s22+$0xFFFFF880] =	vst v2  }
0x4c: {  	v2 =	vld.idx.msk [tilespmem:v3+s11+$0x0], $0xffff  }
0x4d: {  	v3 =	vor.u32 $0x4, v1;
	_ =	sdelay $0x3  }
0x4e: {  	[tilespmem:s22+$0xFFFFF900] =	vst v2  }
0x4f: {  	v2 =	vld.idx.msk [tilespmem:v3+s11+$0x0], $0xffff  }
0x50: {  	v3 =	vor.u32 $0x5, v1;
	_ =	sdelay $0x3  }
0x51: {  	[tilespmem:s22+$0xFFFFF980] =	vst v2  }
0x52: {  	v2 =	vld.idx.msk [tilespmem:v3+s11+$0x0], $0xffff  }
0x53: {  	v3 =	vor.u32 $0x6, v1;
	_ =	sdelay $0x3  }
0x54: {  	[tilespmem:s22+$0xFFFFFA00] =	vst v2  }
0x55: {  	v2 =	vld.idx.msk [tilespmem:v3+s11+$0x0], $0xffff  }
0x56: {  	v3 =	vor.u32 $0x7, v1;
	_ =	sdelay $0x3  }
0x57: {  	[tilespmem:s22+$0xFFFFFA80] =	vst v2  }
0x58: {  	v2 =	vld.idx.msk [tilespmem:v3+s11+$0x0], $0xffff  }
0x59: {  	v3 =	vor.u32 $0x8, v1;
	_ =	sdelay $0x3  }
0x5a: {  	[tilespmem:s22+$0xFFFFFB00] =	vst v2  }
0x5b: {  	v2 =	vld.idx.msk [tilespmem:v3+s11+$0x0], $0xffff  }
0x5c: {  	v3 =	vor.u32 $0x9, v1;
	_ =	sdelay $0x3  }
0x5d: {  	[tilespmem:s22+$0xFFFFFB80] =	vst v2  }
0x5e: {  	v2 =	vld.idx.msk [tilespmem:v3+s11+$0x0], $0xffff  }
0x5f: {  	v3 =	vor.u32 $0xA, v1;
	_ =	sdelay $0x3  }
0x60: {  	[tilespmem:s22+$0xFFFFFC00] =	vst v2  }
0x61: {  	v2 =	vld.idx.msk [tilespmem:v3+s11+$0x0], $0xffff  }
0x62: {  	v3 =	vor.u32 $0xB, v1;
	_ =	sdelay $0x3  }
0x63: {  	[tilespmem:s22+$0xFFFFFC80] =	vst v2  }
0x64: {  	v2 =	vld.idx.msk [tilespmem:v3+s11+$0x0], $0xffff  }
0x65: {  	v3 =	vor.u32 $0xC, v1;
	_ =	sdelay $0x3  }
0x66: {  	[tilespmem:s22+$0xFFFFFD00] =	vst v2  }
0x67: {  	v2 =	vld.idx.msk [tilespmem:v3+s11+$0x0], $0xffff  }
0x68: {  	v3 =	vor.u32 $0xD, v1;
	_ =	sdelay $0x3  }
0x69: {  	[tilespmem:s22+$0xFFFFFD80] =	vst v2  }
0x6a: {  	v2 =	vld.idx.msk [tilespmem:v3+s11+$0x0], $0xffff  }
0x6b: {  	v3 =	vor.u32 $0xE, v1;
	_ =	sdelay $0x3  }
0x6c: {  	[tilespmem:s22+$0xFFFFFE00] =	vst v2  }
0x6d: {  	v2 =	vld.idx.msk [tilespmem:v3+s11+$0x0], $0xffff  }
0x6e: {  	v3 =	vor.u32 $0xF, v1;
	_ =	sdelay $0x3  }
0x6f: {  	[tilespmem:s22+$0xFFFFFE80] =	vst v2  }
0x70: {  	v2 =	vld.idx.msk [tilespmem:v3+s11+$0x0], $0xffff  }
0x71: {  	v3 =	vor.u32 $0x10, v1;
	_ =	sdelay $0x3  }
0x72: {  	[tilespmem:s22+$0xFFFFFF00] =	vst v2  }
0x73: {  	v2 =	vld.idx.msk [tilespmem:v3+s11+$0x0], $0xffff  }
0x74: {  	v3 =	vor.u32 $0x11, v1;
	_ =	sdelay $0x3  }
0x75: {  	[tilespmem:s22+$0xFFFFFF80] =	vst v2  }
0x76: {  	v2 =	vld.idx.msk [tilespmem:v3+s11+$0x0], $0xffff  }
0x77: {  	v3 =	vor.u32 $0x12, v1;
	_ =	sdelay $0x3  }
0x78: {  	[tilespmem:s22+$0x0] =	vst v2  }
0x79: {  	v2 =	vld.idx.msk [tilespmem:v3+s11+$0x0], $0xffff  }
0x7a: {  	v3 =	vor.u32 $0x13, v1;
	_ =	sdelay $0x3  }
0x7b: {  	[tilespmem:s22+$0x80] =	vst v2  }
0x7c: {  	v2 =	vld.idx.msk [tilespmem:v3+s11+$0x0], $0xffff  }
0x7d: {  	v3 =	vor.u32 $0x14, v1;
	_ =	sdelay $0x3  }
0x7e: {  	[tilespmem:s22+$0x100] =	vst v2  }
0x7f: {  	v2 =	vld.idx.msk [tilespmem:v3+s11+$0x0], $0xffff  }
0x80: {  	v3 =	vor.u32 $0x15, v1;
	_ =	sdelay $0x3  }
0x81: {  	[tilespmem:s22+$0x180] =	vst v2  }
0x82: {  	v2 =	vld.idx.msk [tilespmem:v3+s11+$0x0], $0xffff  }
0x83: {  	v3 =	vor.u32 $0x16, v1;
	_ =	sdelay $0x3  }
0x84: {  	[tilespmem:s22+$0x200] =	vst v2  }
0x85: {  	v2 =	vld.idx.msk [tilespmem:v3+s11+$0x0], $0xffff  }
0x86: {  	v3 =	vor.u32 $0x17, v1;
	_ =	sdelay $0x3  }
0x87: {  	[tilespmem:s22+$0x280] =	vst v2  }
0x88: {  	v2 =	vld.idx.msk [tilespmem:v3+s11+$0x0], $0xffff  }
0x89: {  	v3 =	vor.u32 $0x18, v1;
	_ =	sdelay $0x3  }
0x8a: {  	[tilespmem:s22+$0x300] =	vst v2  }
0x8b: {  	v2 =	vld.idx.msk [tilespmem:v3+s11+$0x0], $0xffff  }
0x8c: {  	v3 =	vor.u32 $0x19, v1;
	_ =	sdelay $0x3  }
0x8d: {  	[tilespmem:s22+$0x380] =	vst v2  }
0x8e: {  	v2 =	vld.idx.msk [tilespmem:v3+s11+$0x0], $0xffff  }
0x8f: {  	v3 =	vor.u32 $0x1A, v1;
	_ =	sdelay $0x3  }
0x90: {  	[tilespmem:s22+$0x400] =	vst v2  }
0x91: {  	v2 =	vld.idx.msk [tilespmem:v3+s11+$0x0], $0xffff  }
0x92: {  	v3 =	vor.u32 $0x1B, v1;
	_ =	sdelay $0x3  }
0x93: {  	[tilespmem:s22+$0x480] =	vst v2  }
0x94: {  	v2 =	vld.idx.msk [tilespmem:v3+s11+$0x0], $0xffff  }
0x95: {  	v3 =	vor.u32 $0x1C, v1;
	_ =	sdelay $0x3  }
0x96: {  	[tilespmem:s22+$0x500] =	vst v2  }
0x97: {  	v2 =	vld.idx.msk [tilespmem:v3+s11+$0x0], $0xffff  }
0x98: {  	v3 =	vor.u32 $0x1D, v1;
	_ =	sdelay $0x3  }
0x99: {  	[tilespmem:s22+$0x580] =	vst v2  }
0x9a: {  	v2 =	vld.idx.msk [tilespmem:v3+s11+$0x0], $0xffff  }
0x9b: {  	v3 =	vor.u32 $0x1E, v1;
	_ =	sdelay $0x3  }
0x9c: {  	[tilespmem:s22+$0x600] =	vst v2  }
0x9d: {  	v2 =	vld.idx.msk [tilespmem:v3+s11+$0x0], $0xffff  }
0x9e: {  	v1 =	vor.u32 $0x1F, v1;
	_ =	sdelay $0x3  }
0x9f: {  	[tilespmem:s22+$0x680] =	vst v2  }
0xa0: {  	v1 =	vld.idx.msk [tilespmem:v1+s11+$0x0], $0xffff;
	_ =	sdelay $0x4  }
0xa1: {  	[tilespmem:s22+$0x700] =	vst v1  }
0xa2: {  	v1 =	vld [tilespmem:s25+$0xFFFFFF80];
	_ =	sdelay $0x4  }
0xa3: {  	[tilespmem:s22+$0x780] =	vst v1  }
0xa4: {  	v1 =	vld [tilespmem:s25+$0x0];
	_ =	sdelay $0x4  }
0xa5: {  	[tilespmem:s22+$0x800] =	vst v1  }
0xa6: {  	s26 =	simm.s32 $0x10;
	s28 =	smov.u32 s22;
	v1 =	vld [tilespmem:s25+$0x80]  }
.LBB2_5:
0xa7: {  	_ =	sdelay $0x3  }
0xa8: {  	p0 =	sne.s32 s26, $0x70;
	s25 =	sadd.s32 $0x10, s25;
	[tilespmem:s28+$0x880] =	vst v1;
	s28 =	sadd.s32 $0x10, s28  }
0xa9: {  	s29 =	smov.u32 s26;
	s26 =	sadd.s32 $0x10, s26;
	v1 =	vld [tilespmem:s25+$0xFFFFFF00];
	_ =	sdelay $0x4  }
0xaa: {  	v1 =	vtrunc.f32 v1  }
0xab: {  	v1 =	vcvt.f32.s32 v1  }
0xac: {  	v2 =	vmov s29  }
0xad: {  	v2 =	vshll.u32 v2, $0x7;
	v1 =	vshll.u32 v1, $0x5  }
0xae: {  	v2 =	vor.u32 v0, v2;
	v1 =	vand.u32 $0x60, v1  }
0xaf: {  	v1 =	vor.u32 v2, v1;
	_ =	sdelay $0x4  }
0xb0: {  	v2 =	vld.idx.msk [tilespmem:v1+s11+$0x0], $0xffff;
	_ =	sdelay $0x1  }
0xb1: {  	v3 =	vor.u32 $0x1, v1;
	_ =	sdelay $0x3  }
0xb2: {  	[tilespmem:s28+$0xFFFFF780] =	vst v2  }
0xb3: {  	v2 =	vld.idx.msk [tilespmem:v3+s11+$0x0], $0xffff;
	_ =	sdelay $0x1  }
0xb4: {  	v3 =	vor.u32 $0x2, v1;
	_ =	sdelay $0x3  }
0xb5: {  	[tilespmem:s28+$0xFFFFF800] =	vst v2  }
0xb6: {  	v2 =	vld.idx.msk [tilespmem:v3+s11+$0x0], $0xffff;
	_ =	sdelay $0x1  }
0xb7: {  	v3 =	vor.u32 $0x3, v1;
	_ =	sdelay $0x3  }
0xb8: {  	[tilespmem:s28+$0xFFFFF880] =	vst v2  }
0xb9: {  	v2 =	vld.idx.msk [tilespmem:v3+s11+$0x0], $0xffff;
	_ =	sdelay $0x1  }
0xba: {  	v3 =	vor.u32 $0x4, v1;
	_ =	sdelay $0x3  }
0xbb: {  	[tilespmem:s28+$0xFFFFF900] =	vst v2  }
0xbc: {  	v2 =	vld.idx.msk [tilespmem:v3+s11+$0x0], $0xffff;
	_ =	sdelay $0x1  }
0xbd: {  	v3 =	vor.u32 $0x5, v1;
	_ =	sdelay $0x3  }
0xbe: {  	[tilespmem:s28+$0xFFFFF980] =	vst v2  }
0xbf: {  	v2 =	vld.idx.msk [tilespmem:v3+s11+$0x0], $0xffff;
	_ =	sdelay $0x1  }
0xc0: {  	v3 =	vor.u32 $0x6, v1;
	_ =	sdelay $0x3  }
0xc1: {  	[tilespmem:s28+$0xFFFFFA00] =	vst v2  }
0xc2: {  	v2 =	vld.idx.msk [tilespmem:v3+s11+$0x0], $0xffff;
	_ =	sdelay $0x1  }
0xc3: {  	v3 =	vor.u32 $0x7, v1;
	_ =	sdelay $0x3  }
0xc4: {  	[tilespmem:s28+$0xFFFFFA80] =	vst v2  }
0xc5: {  	v2 =	vld.idx.msk [tilespmem:v3+s11+$0x0], $0xffff;
	_ =	sdelay $0x1  }
0xc6: {  	v3 =	vor.u32 $0x8, v1;
	_ =	sdelay $0x3  }
0xc7: {  	[tilespmem:s28+$0xFFFFFB00] =	vst v2  }
0xc8: {  	v2 =	vld.idx.msk [tilespmem:v3+s11+$0x0], $0xffff;
	_ =	sdelay $0x1  }
0xc9: {  	v3 =	vor.u32 $0x9, v1;
	_ =	sdelay $0x3  }
0xca: {  	[tilespmem:s28+$0xFFFFFB80] =	vst v2  }
0xcb: {  	v2 =	vld.idx.msk [tilespmem:v3+s11+$0x0], $0xffff;
	_ =	sdelay $0x1  }
0xcc: {  	v3 =	vor.u32 $0xA, v1;
	_ =	sdelay $0x3  }
0xcd: {  	[tilespmem:s28+$0xFFFFFC00] =	vst v2  }
0xce: {  	v2 =	vld.idx.msk [tilespmem:v3+s11+$0x0], $0xffff;
	_ =	sdelay $0x1  }
0xcf: {  	v3 =	vor.u32 $0xB, v1;
	_ =	sdelay $0x3  }
0xd0: {  	[tilespmem:s28+$0xFFFFFC80] =	vst v2  }
0xd1: {  	v2 =	vld.idx.msk [tilespmem:v3+s11+$0x0], $0xffff;
	_ =	sdelay $0x1  }
0xd2: {  	v3 =	vor.u32 $0xC, v1;
	_ =	sdelay $0x3  }
0xd3: {  	[tilespmem:s28+$0xFFFFFD00] =	vst v2  }
0xd4: {  	v2 =	vld.idx.msk [tilespmem:v3+s11+$0x0], $0xffff;
	_ =	sdelay $0x1  }
0xd5: {  	v3 =	vor.u32 $0xD, v1;
	_ =	sdelay $0x3  }
0xd6: {  	[tilespmem:s28+$0xFFFFFD80] =	vst v2  }
0xd7: {  	v2 =	vld.idx.msk [tilespmem:v3+s11+$0x0], $0xffff;
	_ =	sdelay $0x1  }
0xd8: {  	v3 =	vor.u32 $0xE, v1;
	_ =	sdelay $0x3  }
0xd9: {  	[tilespmem:s28+$0xFFFFFE00] =	vst v2  }
0xda: {  	v2 =	vld.idx.msk [tilespmem:v3+s11+$0x0], $0xffff;
	_ =	sdelay $0x1  }
0xdb: {  	v3 =	vor.u32 $0xF, v1;
	_ =	sdelay $0x3  }
0xdc: {  	[tilespmem:s28+$0xFFFFFE80] =	vst v2  }
0xdd: {  	v2 =	vld.idx.msk [tilespmem:v3+s11+$0x0], $0xffff;
	_ =	sdelay $0x1  }
0xde: {  	v3 =	vor.u32 $0x10, v1;
	_ =	sdelay $0x3  }
0xdf: {  	[tilespmem:s28+$0xFFFFFF00] =	vst v2  }
0xe0: {  	v2 =	vld.idx.msk [tilespmem:v3+s11+$0x0], $0xffff;
	_ =	sdelay $0x1  }
0xe1: {  	v3 =	vor.u32 $0x11, v1;
	_ =	sdelay $0x3  }
0xe2: {  	[tilespmem:s28+$0xFFFFFF80] =	vst v2  }
0xe3: {  	v2 =	vld.idx.msk [tilespmem:v3+s11+$0x0], $0xffff;
	_ =	sdelay $0x1  }
0xe4: {  	v3 =	vor.u32 $0x12, v1;
	_ =	sdelay $0x3  }
0xe5: {  	[tilespmem:s28+$0x0] =	vst v2  }
0xe6: {  	v2 =	vld.idx.msk [tilespmem:v3+s11+$0x0], $0xffff;
	_ =	sdelay $0x1  }
0xe7: {  	v3 =	vor.u32 $0x13, v1;
	_ =	sdelay $0x3  }
0xe8: {  	[tilespmem:s28+$0x80] =	vst v2  }
0xe9: {  	v2 =	vld.idx.msk [tilespmem:v3+s11+$0x0], $0xffff;
	_ =	sdelay $0x1  }
0xea: {  	v3 =	vor.u32 $0x14, v1;
	_ =	sdelay $0x3  }
0xeb: {  	[tilespmem:s28+$0x100] =	vst v2  }
0xec: {  	v2 =	vld.idx.msk [tilespmem:v3+s11+$0x0], $0xffff;
	_ =	sdelay $0x1  }
0xed: {  	v3 =	vor.u32 $0x15, v1;
	_ =	sdelay $0x3  }
0xee: {  	[tilespmem:s28+$0x180] =	vst v2  }
0xef: {  	v2 =	vld.idx.msk [tilespmem:v3+s11+$0x0], $0xffff;
	_ =	sdelay $0x1  }
0xf0: {  	v3 =	vor.u32 $0x16, v1;
	_ =	sdelay $0x3  }
0xf1: {  	[tilespmem:s28+$0x200] =	vst v2  }
0xf2: {  	v2 =	vld.idx.msk [tilespmem:v3+s11+$0x0], $0xffff;
	_ =	sdelay $0x1  }
0xf3: {  	v3 =	vor.u32 $0x17, v1;
	_ =	sdelay $0x3  }
0xf4: {  	[tilespmem:s28+$0x280] =	vst v2  }
0xf5: {  	v2 =	vld.idx.msk [tilespmem:v3+s11+$0x0], $0xffff;
	_ =	sdelay $0x1  }
0xf6: {  	v3 =	vor.u32 $0x18, v1;
	_ =	sdelay $0x3  }
0xf7: {  	[tilespmem:s28+$0x300] =	vst v2  }
0xf8: {  	v2 =	vld.idx.msk [tilespmem:v3+s11+$0x0], $0xffff;
	_ =	sdelay $0x1  }
0xf9: {  	v3 =	vor.u32 $0x19, v1;
	_ =	sdelay $0x3  }
0xfa: {  	[tilespmem:s28+$0x380] =	vst v2  }
0xfb: {  	v2 =	vld.idx.msk [tilespmem:v3+s11+$0x0], $0xffff;
	_ =	sdelay $0x1  }
0xfc: {  	v3 =	vor.u32 $0x1A, v1;
	_ =	sdelay $0x3  }
0xfd: {  	[tilespmem:s28+$0x400] =	vst v2  }
0xfe: {  	v2 =	vld.idx.msk [tilespmem:v3+s11+$0x0], $0xffff;
	_ =	sdelay $0x1  }
0xff: {  	v3 =	vor.u32 $0x1B, v1;
	_ =	sdelay $0x3  }
0x100: {  	[tilespmem:s28+$0x480] =	vst v2  }
0x101: {  	v2 =	vld.idx.msk [tilespmem:v3+s11+$0x0], $0xffff;
	_ =	sdelay $0x1  }
0x102: {  	v3 =	vor.u32 $0x1C, v1;
	_ =	sdelay $0x3  }
0x103: {  	[tilespmem:s28+$0x500] =	vst v2  }
0x104: {  	v2 =	vld.idx.msk [tilespmem:v3+s11+$0x0], $0xffff;
	_ =	sdelay $0x1  }
0x105: {  	v3 =	vor.u32 $0x1D, v1;
	_ =	sdelay $0x3  }
0x106: {  	[tilespmem:s28+$0x580] =	vst v2  }
0x107: {  	v2 =	vld.idx.msk [tilespmem:v3+s11+$0x0], $0xffff;
	_ =	sdelay $0x1  }
0x108: {  	v3 =	vor.u32 $0x1E, v1;
	_ =	sdelay $0x3  }
0x109: {  	[tilespmem:s28+$0x600] =	vst v2  }
0x10a: {  	v2 =	vld.idx.msk [tilespmem:v3+s11+$0x0], $0xffff;
	_ =	sdelay $0x1  }
0x10b: {  	v1 =	vor.u32 $0x1F, v1;
	_ =	sdelay $0x3  }
0x10c: {  	[tilespmem:s28+$0x680] =	vst v2  }
0x10d: {  	v1 =	vld.idx.msk [tilespmem:v1+s11+$0x0], $0xffff;
	_ =	sdelay $0x5  }
0x10e: {  	[tilespmem:s28+$0x700] =	vst v1  }
0x10f: {  	v1 =	vld [tilespmem:s25+$0xFFFFFF80];
	_ =	sdelay $0x4  }
0x110: {  	[tilespmem:s28+$0x780] =	vst v1  }
0x111: {  	v1 =	vld [tilespmem:s25+$0x0];
	_ =	sdelay $0x1  }
.Ltmp5:
0x112: {  	(pc) =	sbr.rel @p0 .LBB2_5-.Ltmp5, $3  }
0x113: {  	_ =	sdelay $0x1  }
0x114: {  	[tilespmem:s28+$0x800] =	vst v1  }
0x115: {  	v1 =	vld [tilespmem:s25+$0x80]  }
0x116: {  	_ =	sdelay $0x3  }
0x117: {  	[tilespmem:s28+$0x880] =	vst v1  }
0x118: {  	v1 =	vld [tilespmem:$0x200]  }
0x119: {  	v2 =	vld [tilespmem:$0x210]  }
0x11a: {  	v3 =	vld [tilespmem:$0x220]  }
0x11b: {  	v4 =	vld [tilespmem:$0x230]  }
0x11c: {  	v5 =	vld [tilespmem:$0x240]  }
0x11d: {  	v6 =	vld [tilespmem:$0x250];
	v1 =	vtrunc.f32 v1  }
0x11e: {  	v7 =	vld [tilespmem:$0x260];
	v2 =	vtrunc.f32 v2;
	v1 =	vcvt.f32.s32 v1  }
0x11f: {  	v8 =	vld [tilespmem:$0x270];
	v3 =	vtrunc.f32 v3;
	v2 =	vcvt.f32.s32 v2  }
0x120: {  	v4 =	vtrunc.f32 v4;
	v3 =	vcvt.f32.s32 v3;
	v1 =	vshrl.u32 v1, $0x2  }
0x121: {  	v60 =	vtrunc.f32 v5;
	[tilespmem:$0x400] =	vst v1;
	v1 =	vshrl.u32 v2, $0x2;
	v2 =	vcvt.f32.s32 v4  }
0x122: {  	v61 =	vtrunc.f32 v6;
	[tilespmem:$0x410] =	vst v1;
	v1 =	vshrl.u32 v3, $0x2;
	v3 =	vcvt.f32.s32 v60  }
0x123: {  	v62 =	vtrunc.f32 v7;
	[tilespmem:$0x420] =	vst v1;
	v1 =	vshrl.u32 v2, $0x2;
	v2 =	vcvt.f32.s32 v61  }
0x124: {  	v63 =	vtrunc.f32 v8;
	[tilespmem:$0x430] =	vst v1;
	v1 =	vshrl.u32 v3, $0x2;
	v3 =	vcvt.f32.s32 v62  }
0x125: {  	[tilespmem:$0x440] =	vst v1;
	v1 =	vshrl.u32 v2, $0x2;
	v2 =	vcvt.f32.s32 v63  }
0x126: {  	[tilespmem:$0x450] =	vst v1;
	v1 =	vshrl.u32 v3, $0x2  }
0x127: {  	[tilespmem:$0x460] =	vst v1;
	v1 =	vshrl.u32 v2, $0x2  }
0x128: {  	[tilespmem:$0x470] =	vst v1  }
0x129: {  	[tilespmem:s11], [sflag:$0x1] =	stream.indirect.gather [hbm4b:s4+s9], $0x80, s10, s9, $0xb8;
	[tilespmem:$0x1A480] =	vst v63  }
0x12a: {  	_ =	swait.ge [sflag:s12], $0x4000  }
0x12b: {  	[sflag:s12] =	ssyncset.done $0x0  }
0x12c: {  	s25 =	simm.s32 $0x380;
	[sflag:s12] =	ssyncadd.s32 $0xFFFFC000  }
0x12d: {  	v1 =	vld [tilespmem:s25+$0xFFFFFE80];
	_ =	sdelay $0x4  }
0x12e: {  	v1 =	vtrunc.f32 v1  }
0x12f: {  	s26 =	simm.s32 $0x0;
	v1 =	vcvt.f32.s32 v1  }
0x130: {  	v2 =	vmov s26  }
0x131: {  	v2 =	vshll.u32 v2, $0x7;
	v1 =	vshll.u32 v1, $0x5  }
0x132: {  	v2 =	vor.u32 v0, v2;
	v1 =	vand.u32 $0x60, v1  }
0x133: {  	v1 =	vor.u32 v2, v1;
	_ =	sdelay $0x4  }
0x134: {  	v2 =	vld.idx.msk [tilespmem:v1+s11+$0x0], $0xffff  }
0x135: {  	v3 =	vor.u32 $0x1, v1;
	_ =	sdelay $0x3  }
0x136: {  	[tilespmem:s23+$0xFFFFEF00] =	vst v2  }
0x137: {  	v2 =	vld.idx.msk [tilespmem:v3+s11+$0x0], $0xffff  }
0x138: {  	v3 =	vor.u32 $0x2, v1;
	_ =	sdelay $0x3  }
0x139: {  	[tilespmem:s23+$0xFFFFEF80] =	vst v2  }
0x13a: {  	v2 =	vld.idx.msk [tilespmem:v3+s11+$0x0], $0xffff  }
0x13b: {  	v3 =	vor.u32 $0x3, v1;
	_ =	sdelay $0x3  }
0x13c: {  	[tilespmem:s23+$0xFFFFF000] =	vst v2  }
0x13d: {  	v2 =	vld.idx.msk [tilespmem:v3+s11+$0x0], $0xffff  }
0x13e: {  	v3 =	vor.u32 $0x4, v1;
	_ =	sdelay $0x3  }
0x13f: {  	[tilespmem:s23+$0xFFFFF080] =	vst v2  }
0x140: {  	v2 =	vld.idx.msk [tilespmem:v3+s11+$0x0], $0xffff  }
0x141: {  	v3 =	vor.u32 $0x5, v1;
	_ =	sdelay $0x3  }
0x142: {  	[tilespmem:s23+$0xFFFFF100] =	vst v2  }
0x143: {  	v2 =	vld.idx.msk [tilespmem:v3+s11+$0x0], $0xffff  }
0x144: {  	v3 =	vor.u32 $0x6, v1;
	_ =	sdelay $0x3  }
0x145: {  	[tilespmem:s23+$0xFFFFF180] =	vst v2  }
0x146: {  	v2 =	vld.idx.msk [tilespmem:v3+s11+$0x0], $0xffff  }
0x147: {  	v3 =	vor.u32 $0x7, v1;
	_ =	sdelay $0x3  }
0x148: {  	[tilespmem:s23+$0xFFFFF200] =	vst v2  }
0x149: {  	v2 =	vld.idx.msk [tilespmem:v3+s11+$0x0], $0xffff  }
0x14a: {  	v3 =	vor.u32 $0x8, v1;
	_ =	sdelay $0x3  }
0x14b: {  	[tilespmem:s23+$0xFFFFF280] =	vst v2  }
0x14c: {  	v2 =	vld.idx.msk [tilespmem:v3+s11+$0x0], $0xffff  }
0x14d: {  	v3 =	vor.u32 $0x9, v1;
	_ =	sdelay $0x3  }
0x14e: {  	[tilespmem:s23+$0xFFFFF300] =	vst v2  }
0x14f: {  	v2 =	vld.idx.msk [tilespmem:v3+s11+$0x0], $0xffff  }
0x150: {  	v3 =	vor.u32 $0xA, v1;
	_ =	sdelay $0x3  }
0x151: {  	[tilespmem:s23+$0xFFFFF380] =	vst v2  }
0x152: {  	v2 =	vld.idx.msk [tilespmem:v3+s11+$0x0], $0xffff  }
0x153: {  	v3 =	vor.u32 $0xB, v1;
	_ =	sdelay $0x3  }
0x154: {  	[tilespmem:s23+$0xFFFFF400] =	vst v2  }
0x155: {  	v2 =	vld.idx.msk [tilespmem:v3+s11+$0x0], $0xffff  }
0x156: {  	v3 =	vor.u32 $0xC, v1;
	_ =	sdelay $0x3  }
0x157: {  	[tilespmem:s23+$0xFFFFF480] =	vst v2  }
0x158: {  	v2 =	vld.idx.msk [tilespmem:v3+s11+$0x0], $0xffff  }
0x159: {  	v3 =	vor.u32 $0xD, v1;
	_ =	sdelay $0x3  }
0x15a: {  	[tilespmem:s23+$0xFFFFF500] =	vst v2  }
0x15b: {  	v2 =	vld.idx.msk [tilespmem:v3+s11+$0x0], $0xffff  }
0x15c: {  	v3 =	vor.u32 $0xE, v1;
	_ =	sdelay $0x3  }
0x15d: {  	[tilespmem:s23+$0xFFFFF580] =	vst v2  }
0x15e: {  	v2 =	vld.idx.msk [tilespmem:v3+s11+$0x0], $0xffff  }
0x15f: {  	v3 =	vor.u32 $0xF, v1;
	_ =	sdelay $0x3  }
0x160: {  	[tilespmem:s23+$0xFFFFF600] =	vst v2  }
0x161: {  	v2 =	vld.idx.msk [tilespmem:v3+s11+$0x0], $0xffff  }
0x162: {  	v3 =	vor.u32 $0x10, v1;
	_ =	sdelay $0x3  }
0x163: {  	[tilespmem:s23+$0xFFFFF680] =	vst v2  }
0x164: {  	v2 =	vld.idx.msk [tilespmem:v3+s11+$0x0], $0xffff  }
0x165: {  	v3 =	vor.u32 $0x11, v1;
	_ =	sdelay $0x3  }
0x166: {  	[tilespmem:s23+$0xFFFFF700] =	vst v2  }
0x167: {  	v2 =	vld.idx.msk [tilespmem:v3+s11+$0x0], $0xffff  }
0x168: {  	v3 =	vor.u32 $0x12, v1;
	_ =	sdelay $0x3  }
0x169: {  	[tilespmem:s23+$0xFFFFF780] =	vst v2  }
0x16a: {  	v2 =	vld.idx.msk [tilespmem:v3+s11+$0x0], $0xffff  }
0x16b: {  	v3 =	vor.u32 $0x13, v1;
	_ =	sdelay $0x3  }
0x16c: {  	[tilespmem:s23+$0xFFFFF800] =	vst v2  }
0x16d: {  	v2 =	vld.idx.msk [tilespmem:v3+s11+$0x0], $0xffff  }
0x16e: {  	v3 =	vor.u32 $0x14, v1;
	_ =	sdelay $0x3  }
0x16f: {  	[tilespmem:s23+$0xFFFFF880] =	vst v2  }
0x170: {  	v2 =	vld.idx.msk [tilespmem:v3+s11+$0x0], $0xffff  }
0x171: {  	v3 =	vor.u32 $0x15, v1;
	_ =	sdelay $0x3  }
0x172: {  	[tilespmem:s23+$0xFFFFF900] =	vst v2  }
0x173: {  	v2 =	vld.idx.msk [tilespmem:v3+s11+$0x0], $0xffff  }
0x174: {  	v3 =	vor.u32 $0x16, v1;
	_ =	sdelay $0x3  }
0x175: {  	[tilespmem:s23+$0xFFFFF980] =	vst v2  }
0x176: {  	v2 =	vld.idx.msk [tilespmem:v3+s11+$0x0], $0xffff  }
0x177: {  	v3 =	vor.u32 $0x17, v1;
	_ =	sdelay $0x3  }
0x178: {  	[tilespmem:s23+$0xFFFFFA00] =	vst v2  }
0x179: {  	v2 =	vld.idx.msk [tilespmem:v3+s11+$0x0], $0xffff  }
0x17a: {  	v3 =	vor.u32 $0x18, v1;
	_ =	sdelay $0x3  }
0x17b: {  	[tilespmem:s23+$0xFFFFFA80] =	vst v2  }
0x17c: {  	v2 =	vld.idx.msk [tilespmem:v3+s11+$0x0], $0xffff  }
0x17d: {  	v3 =	vor.u32 $0x19, v1;
	_ =	sdelay $0x3  }
0x17e: {  	[tilespmem:s23+$0xFFFFFB00] =	vst v2  }
0x17f: {  	v2 =	vld.idx.msk [tilespmem:v3+s11+$0x0], $0xffff  }
0x180: {  	v3 =	vor.u32 $0x1A, v1;
	_ =	sdelay $0x3  }
0x181: {  	[tilespmem:s23+$0xFFFFFB80] =	vst v2  }
0x182: {  	v2 =	vld.idx.msk [tilespmem:v3+s11+$0x0], $0xffff  }
0x183: {  	v3 =	vor.u32 $0x1B, v1;
	_ =	sdelay $0x3  }
0x184: {  	[tilespmem:s23+$0xFFFFFC00] =	vst v2  }
0x185: {  	v2 =	vld.idx.msk [tilespmem:v3+s11+$0x0], $0xffff  }
0x186: {  	v3 =	vor.u32 $0x1C, v1;
	_ =	sdelay $0x3  }
0x187: {  	[tilespmem:s23+$0xFFFFFC80] =	vst v2  }
0x188: {  	v2 =	vld.idx.msk [tilespmem:v3+s11+$0x0], $0xffff  }
0x189: {  	v3 =	vor.u32 $0x1D, v1;
	_ =	sdelay $0x3  }
0x18a: {  	[tilespmem:s23+$0xFFFFFD00] =	vst v2  }
0x18b: {  	v2 =	vld.idx.msk [tilespmem:v3+s11+$0x0], $0xffff  }
0x18c: {  	v3 =	vor.u32 $0x1E, v1;
	_ =	sdelay $0x3  }
0x18d: {  	[tilespmem:s23+$0xFFFFFD80] =	vst v2  }
0x18e: {  	v2 =	vld.idx.msk [tilespmem:v3+s11+$0x0], $0xffff  }
0x18f: {  	v1 =	vor.u32 $0x1F, v1;
	_ =	sdelay $0x3  }
0x190: {  	[tilespmem:s23+$0xFFFFFE00] =	vst v2  }
0x191: {  	v1 =	vld.idx.msk [tilespmem:v1+s11+$0x0], $0xffff;
	_ =	sdelay $0x4  }
0x192: {  	[tilespmem:s23+$0xFFFFFE80] =	vst v1  }
0x193: {  	v1 =	vld [tilespmem:s25+$0xFFFFFF00];
	_ =	sdelay $0x4  }
0x194: {  	[tilespmem:s23+$0xFFFFFF00] =	vst v1  }
0x195: {  	v1 =	vld [tilespmem:s25+$0xFFFFFF80];
	_ =	sdelay $0x4  }
0x196: {  	[tilespmem:s23+$0xFFFFFF80] =	vst v1  }
0x197: {  	s28 =	simm.s32 $0x10;
	s26 =	smov.u32 s23;
	v1 =	vld [tilespmem:s25+$0x0]  }
.LBB2_7:
0x198: {  	_ =	sdelay $0x3  }
0x199: {  	p0 =	sne.s32 s28, $0x70;
	s25 =	sadd.s32 $0x10, s25;
	[tilespmem:s26+$0x0] =	vst v1;
	s26 =	sadd.s32 $0x10, s26  }
0x19a: {  	s29 =	smov.u32 s28;
	s28 =	sadd.s32 $0x10, s28;
	v1 =	vld [tilespmem:s25+$0xFFFFFE80];
	_ =	sdelay $0x4  }
0x19b: {  	v1 =	vtrunc.f32 v1  }
0x19c: {  	v1 =	vcvt.f32.s32 v1  }
0x19d: {  	v2 =	vmov s29  }
0x19e: {  	v2 =	vshll.u32 v2, $0x7;
	v1 =	vshll.u32 v1, $0x5  }
0x19f: {  	v2 =	vor.u32 v0, v2;
	v1 =	vand.u32 $0x60, v1  }
0x1a0: {  	v1 =	vor.u32 v2, v1;
	_ =	sdelay $0x4  }
0x1a1: {  	v2 =	vld.idx.msk [tilespmem:v1+s11+$0x0], $0xffff;
	_ =	sdelay $0x1  }
0x1a2: {  	v3 =	vor.u32 $0x1, v1;
	_ =	sdelay $0x3  }
0x1a3: {  	[tilespmem:s26+$0xFFFFEF00] =	vst v2  }
0x1a4: {  	v2 =	vld.idx.msk [tilespmem:v3+s11+$0x0], $0xffff;
	_ =	sdelay $0x1  }
0x1a5: {  	v3 =	vor.u32 $0x2, v1;
	_ =	sdelay $0x3  }
0x1a6: {  	[tilespmem:s26+$0xFFFFEF80] =	vst v2  }
0x1a7: {  	v2 =	vld.idx.msk [tilespmem:v3+s11+$0x0], $0xffff;
	_ =	sdelay $0x1  }
0x1a8: {  	v3 =	vor.u32 $0x3, v1;
	_ =	sdelay $0x3  }
0x1a9: {  	[tilespmem:s26+$0xFFFFF000] =	vst v2  }
0x1aa: {  	v2 =	vld.idx.msk [tilespmem:v3+s11+$0x0], $0xffff;
	_ =	sdelay $0x1  }
0x1ab: {  	v3 =	vor.u32 $0x4, v1;
	_ =	sdelay $0x3  }
0x1ac: {  	[tilespmem:s26+$0xFFFFF080] =	vst v2  }
0x1ad: {  	v2 =	vld.idx.msk [tilespmem:v3+s11+$0x0], $0xffff;
	_ =	sdelay $0x1  }
0x1ae: {  	v3 =	vor.u32 $0x5, v1;
	_ =	sdelay $0x3  }
0x1af: {  	[tilespmem:s26+$0xFFFFF100] =	vst v2  }
0x1b0: {  	v2 =	vld.idx.msk [tilespmem:v3+s11+$0x0], $0xffff;
	_ =	sdelay $0x1  }
0x1b1: {  	v3 =	vor.u32 $0x6, v1;
	_ =	sdelay $0x3  }
0x1b2: {  	[tilespmem:s26+$0xFFFFF180] =	vst v2  }
0x1b3: {  	v2 =	vld.idx.msk [tilespmem:v3+s11+$0x0], $0xffff;
	_ =	sdelay $0x1  }
0x1b4: {  	v3 =	vor.u32 $0x7, v1;
	_ =	sdelay $0x3  }
0x1b5: {  	[tilespmem:s26+$0xFFFFF200] =	vst v2  }
0x1b6: {  	v2 =	vld.idx.msk [tilespmem:v3+s11+$0x0], $0xffff;
	_ =	sdelay $0x1  }
0x1b7: {  	v3 =	vor.u32 $0x8, v1;
	_ =	sdelay $0x3  }
0x1b8: {  	[tilespmem:s26+$0xFFFFF280] =	vst v2  }
0x1b9: {  	v2 =	vld.idx.msk [tilespmem:v3+s11+$0x0], $0xffff;
	_ =	sdelay $0x1  }
0x1ba: {  	v3 =	vor.u32 $0x9, v1;
	_ =	sdelay $0x3  }
0x1bb: {  	[tilespmem:s26+$0xFFFFF300] =	vst v2  }
0x1bc: {  	v2 =	vld.idx.msk [tilespmem:v3+s11+$0x0], $0xffff;
	_ =	sdelay $0x1  }
0x1bd: {  	v3 =	vor.u32 $0xA, v1;
	_ =	sdelay $0x3  }
0x1be: {  	[tilespmem:s26+$0xFFFFF380] =	vst v2  }
0x1bf: {  	v2 =	vld.idx.msk [tilespmem:v3+s11+$0x0], $0xffff;
	_ =	sdelay $0x1  }
0x1c0: {  	v3 =	vor.u32 $0xB, v1;
	_ =	sdelay $0x3  }
0x1c1: {  	[tilespmem:s26+$0xFFFFF400] =	vst v2  }
0x1c2: {  	v2 =	vld.idx.msk [tilespmem:v3+s11+$0x0], $0xffff;
	_ =	sdelay $0x1  }
0x1c3: {  	v3 =	vor.u32 $0xC, v1;
	_ =	sdelay $0x3  }
0x1c4: {  	[tilespmem:s26+$0xFFFFF480] =	vst v2  }
0x1c5: {  	v2 =	vld.idx.msk [tilespmem:v3+s11+$0x0], $0xffff;
	_ =	sdelay $0x1  }
0x1c6: {  	v3 =	vor.u32 $0xD, v1;
	_ =	sdelay $0x3  }
0x1c7: {  	[tilespmem:s26+$0xFFFFF500] =	vst v2  }
0x1c8: {  	v2 =	vld.idx.msk [tilespmem:v3+s11+$0x0], $0xffff;
	_ =	sdelay $0x1  }
0x1c9: {  	v3 =	vor.u32 $0xE, v1;
	_ =	sdelay $0x3  }
0x1ca: {  	[tilespmem:s26+$0xFFFFF580] =	vst v2  }
0x1cb: {  	v2 =	vld.idx.msk [tilespmem:v3+s11+$0x0], $0xffff;
	_ =	sdelay $0x1  }
0x1cc: {  	v3 =	vor.u32 $0xF, v1;
	_ =	sdelay $0x3  }
0x1cd: {  	[tilespmem:s26+$0xFFFFF600] =	vst v2  }
0x1ce: {  	v2 =	vld.idx.msk [tilespmem:v3+s11+$0x0], $0xffff;
	_ =	sdelay $0x1  }
0x1cf: {  	v3 =	vor.u32 $0x10, v1;
	_ =	sdelay $0x3  }
0x1d0: {  	[tilespmem:s26+$0xFFFFF680] =	vst v2  }
0x1d1: {  	v2 =	vld.idx.msk [tilespmem:v3+s11+$0x0], $0xffff;
	_ =	sdelay $0x1  }
0x1d2: {  	v3 =	vor.u32 $0x11, v1;
	_ =	sdelay $0x3  }
0x1d3: {  	[tilespmem:s26+$0xFFFFF700] =	vst v2  }
0x1d4: {  	v2 =	vld.idx.msk [tilespmem:v3+s11+$0x0], $0xffff;
	_ =	sdelay $0x1  }
0x1d5: {  	v3 =	vor.u32 $0x12, v1;
	_ =	sdelay $0x3  }
0x1d6: {  	[tilespmem:s26+$0xFFFFF780] =	vst v2  }
0x1d7: {  	v2 =	vld.idx.msk [tilespmem:v3+s11+$0x0], $0xffff;
	_ =	sdelay $0x1  }
0x1d8: {  	v3 =	vor.u32 $0x13, v1;
	_ =	sdelay $0x3  }
0x1d9: {  	[tilespmem:s26+$0xFFFFF800] =	vst v2  }
0x1da: {  	v2 =	vld.idx.msk [tilespmem:v3+s11+$0x0], $0xffff;
	_ =	sdelay $0x1  }
0x1db: {  	v3 =	vor.u32 $0x14, v1;
	_ =	sdelay $0x3  }
0x1dc: {  	[tilespmem:s26+$0xFFFFF880] =	vst v2  }
0x1dd: {  	v2 =	vld.idx.msk [tilespmem:v3+s11+$0x0], $0xffff;
	_ =	sdelay $0x1  }
0x1de: {  	v3 =	vor.u32 $0x15, v1;
	_ =	sdelay $0x3  }
0x1df: {  	[tilespmem:s26+$0xFFFFF900] =	vst v2  }
0x1e0: {  	v2 =	vld.idx.msk [tilespmem:v3+s11+$0x0], $0xffff;
	_ =	sdelay $0x1  }
0x1e1: {  	v3 =	vor.u32 $0x16, v1;
	_ =	sdelay $0x3  }
0x1e2: {  	[tilespmem:s26+$0xFFFFF980] =	vst v2  }
0x1e3: {  	v2 =	vld.idx.msk [tilespmem:v3+s11+$0x0], $0xffff;
	_ =	sdelay $0x1  }
0x1e4: {  	v3 =	vor.u32 $0x17, v1;
	_ =	sdelay $0x3  }
0x1e5: {  	[tilespmem:s26+$0xFFFFFA00] =	vst v2  }
0x1e6: {  	v2 =	vld.idx.msk [tilespmem:v3+s11+$0x0], $0xffff;
	_ =	sdelay $0x1  }
0x1e7: {  	v3 =	vor.u32 $0x18, v1;
	_ =	sdelay $0x3  }
0x1e8: {  	[tilespmem:s26+$0xFFFFFA80] =	vst v2  }
0x1e9: {  	v2 =	vld.idx.msk [tilespmem:v3+s11+$0x0], $0xffff;
	_ =	sdelay $0x1  }
0x1ea: {  	v3 =	vor.u32 $0x19, v1;
	_ =	sdelay $0x3  }
0x1eb: {  	[tilespmem:s26+$0xFFFFFB00] =	vst v2  }
0x1ec: {  	v2 =	vld.idx.msk [tilespmem:v3+s11+$0x0], $0xffff;
	_ =	sdelay $0x1  }
0x1ed: {  	v3 =	vor.u32 $0x1A, v1;
	_ =	sdelay $0x3  }
0x1ee: {  	[tilespmem:s26+$0xFFFFFB80] =	vst v2  }
0x1ef: {  	v2 =	vld.idx.msk [tilespmem:v3+s11+$0x0], $0xffff;
	_ =	sdelay $0x1  }
0x1f0: {  	v3 =	vor.u32 $0x1B, v1;
	_ =	sdelay $0x3  }
0x1f1: {  	[tilespmem:s26+$0xFFFFFC00] =	vst v2  }
0x1f2: {  	v2 =	vld.idx.msk [tilespmem:v3+s11+$0x0], $0xffff;
	_ =	sdelay $0x1  }
0x1f3: {  	v3 =	vor.u32 $0x1C, v1;
	_ =	sdelay $0x3  }
0x1f4: {  	[tilespmem:s26+$0xFFFFFC80] =	vst v2  }
0x1f5: {  	v2 =	vld.idx.msk [tilespmem:v3+s11+$0x0], $0xffff;
	_ =	sdelay $0x1  }
0x1f6: {  	v3 =	vor.u32 $0x1D, v1;
	_ =	sdelay $0x3  }
0x1f7: {  	[tilespmem:s26+$0xFFFFFD00] =	vst v2  }
0x1f8: {  	v2 =	vld.idx.msk [tilespmem:v3+s11+$0x0], $0xffff;
	_ =	sdelay $0x1  }
0x1f9: {  	v3 =	vor.u32 $0x1E, v1;
	_ =	sdelay $0x3  }
0x1fa: {  	[tilespmem:s26+$0xFFFFFD80] =	vst v2  }
0x1fb: {  	v2 =	vld.idx.msk [tilespmem:v3+s11+$0x0], $0xffff;
	_ =	sdelay $0x1  }
0x1fc: {  	v1 =	vor.u32 $0x1F, v1;
	_ =	sdelay $0x3  }
0x1fd: {  	[tilespmem:s26+$0xFFFFFE00] =	vst v2  }
0x1fe: {  	v1 =	vld.idx.msk [tilespmem:v1+s11+$0x0], $0xffff;
	_ =	sdelay $0x5  }
0x1ff: {  	[tilespmem:s26+$0xFFFFFE80] =	vst v1  }
0x200: {  	v1 =	vld [tilespmem:s25+$0xFFFFFF00];
	_ =	sdelay $0x4  }
0x201: {  	[tilespmem:s26+$0xFFFFFF00] =	vst v1  }
0x202: {  	v1 =	vld [tilespmem:s25+$0xFFFFFF80];
	_ =	sdelay $0x1  }
.Ltmp6:
0x203: {  	(pc) =	sbr.rel @p0 .LBB2_7-.Ltmp6, $3  }
0x204: {  	_ =	sdelay $0x1  }
0x205: {  	[tilespmem:s26+$0xFFFFFF80] =	vst v1  }
0x206: {  	v1 =	vld [tilespmem:s25+$0x0]  }
0x207: {  	s24 =	sadd.s32 $0x1, s24  }
0x208: {  	p0 =	sne.s32 s24, $0xA  }
.Ltmp7:
0x209: {  	_ = 	snop;
	(pc) =	sbr.rel @p0 .LBB2_4-.Ltmp7, $2  }
0x20a: {  	_ =	sdelay $0x2  }
0x20b: {  	s22 =	sadd.s32 $0x2300, s22;
	s23 =	sadd.s32 $0x2300, s23;
	[tilespmem:s26+$0x0] =	vst v1  }
0x20c: {  	s19 =	smul.u32 $0x16000, s19;
	_ =	sdelay $0x1  }
0x20d: {  	s19 =	sadd.s32 s19, s6  }
0x20e: {  	[hbm4b:s19+s10] =	stream.strided.scatter [tilespmem:s14], [sflag:$0x2], $0x15C00, s13, s10, $0x38;
	[tilespmem:$0x1A480] =	vst v63  }
.Ltmp8:
0x20f: {  	s19 =	sadd.s32 $0x15C00, s19;
	(pc) =	sbr.rel .LBB2_10-.Ltmp8, $4  }
0x210: {  	[hbm4b:s19+s3] =	stream.linear.scatter [tilespmem:s15], [sflag:$0x2], $0x200, $0x38;
	[tilespmem:$0x1A480] =	vst v63  }
0x211: {  	_ =	swait.ge [sflag:s16], $0x15E00  }
0x212: {  	[sflag:s16] =	ssyncset.done $0x0  }
0x213: {  	[sflag:s16] =	ssyncadd.s32 $0xFFFEA200  }
.LBB2_12:
0x214: {  	_ =	sfence.sel $0x180000  }
0x215: {  	[bflag:$0x0] =	sbarrier.arrive $0xFFFF  }
0x216: {  	p0 =	sne.s32 s0, $0x0;
	_ =	strace $0x90000047  }
0x217: {  	s0 =	sadd.s32 @!p0 $0x100000, s1;
	[bflag:$0x2] =	sbarrier.arrive $0xFFFF  }
0x218: {  	[sflag:s0] =	ssyncadd.tile.s32 @!p0 $0x1;
	_ =	shalt  }
.Lfunc_end2:
_tile_overlayer_lowered:
.L_overlay_start_2:
0x219: {  	(tag) =	ssettag $0x2  }
0x21a: {  	s0 =	rddreg [dreg:$0x0];
	s2 =	stileid.u32  }
0x21b: {  	s1 =	rddreg [dreg:$0x1];
	p0 =	sne.s32 s2, $0x0  }
0x21c: {  	s3 =	rddreg [dreg:$0x2];
	[bflag:$0x3] =	sbarrier.arrive $0xFFFF;
	s2 =	simm.s32 @!p0 $0x1C02  }
0x21d: {  	[timem:s3], [sflag:s2] =	dma.local @!p0 [hbm:s0], s1  }
0x21e: {  	s0 =	simm.s32 @!p0 $0x2  }
0x21f: {  	_ =	swait.ge @!p0 [sflag:s0], s1  }
0x220: {  	s1 =	ssub.s32 @!p0 $0x0, s1;
	[sflag:s0] =	ssyncset.done @!p0 $0x0  }
0x221: {  	[sflag:s0] =	ssyncadd.s32 @!p0 s1  }
0x222: {  	[bflag:$0x3] =	sbarrier.arrive $0xFFFF  }
0x223: {  	_ =	shalt  }

</sc_bundles>
